<compile_context>
chip_gen: v7x
topology: tpu7x:2x2x1
jax: 0.10.2.dev20260603
libtpu: 0.0.44.dev20260713+nightly
codegen_flags: <defaults>
</compile_context>

<pallas_src>
import functools

import jax
import jax.numpy as jnp
from jax import lax
from jax.experimental import pallas as pl
from jax.experimental.pallas import tpu as pltpu
from jax.experimental.pallas import tpu_sc as plsc

N_FIELDS = 26
VOCAB = 100000
EMB_DIM = 16
BATCH = 16384

NUM_WORKERS = 32
NUM_PLANES = N_FIELDS * EMB_DIM
PLANES_PER_W = NUM_PLANES // NUM_WORKERS
OUT_CHUNK = 4096
NCHUNK = BATCH // OUT_CHUNK


def _sc_lookup(x_t, tab_t):
    mesh = plsc.VectorSubcoreMesh(core_axis_name="c", subcore_axis_name="s")

    @functools.partial(
        pl.kernel,
        out_type=jax.ShapeDtypeStruct((N_FIELDS, EMB_DIM, BATCH), jnp.float32),
        mesh=mesh,
        scratch_types=[
            pltpu.VMEM((VOCAB,), jnp.float32),
            pltpu.VMEM((BATCH,), jnp.int32),
            pltpu.VMEM((OUT_CHUNK,), jnp.float32),
            pltpu.VMEM((OUT_CHUNK,), jnp.float32),
            pltpu.SemaphoreType.DMA,
            pltpu.SemaphoreType.DMA,
            pltpu.SemaphoreType.DMA,
            pltpu.SemaphoreType.DMA,
        ],
        compiler_params=pltpu.CompilerParams(needs_layout_passes=False),
    )
    def run(x_hbm, tab_hbm, out_hbm, plane_v, idx_v, oc0, oc1, sp, si, so0, so1):
        wid = lax.axis_index("s") * 2 + lax.axis_index("c")
        p0 = wid * PLANES_PER_W
        ocs = (oc0, oc1)
        sos = (so0, so1)

        def do_plane(p, first_out):
            f = p // EMB_DIM
            d = p % EMB_DIM
            pltpu.async_copy(tab_hbm.at[f, d], plane_v, sp)
            pltpu.make_async_copy(tab_hbm.at[f, d], plane_v, sp).wait()

            for h in range(NCHUNK):
                ob = ocs[h % 2]
                sem = sos[h % 2]

                def drain(ob=ob, sem=sem):
                    pltpu.make_async_copy(
                        ob, out_hbm.at[0, 0, pl.ds(0, OUT_CHUNK)], sem).wait()

                if h < 2:
                    pl.when(jnp.logical_not(first_out))(drain)
                else:
                    drain()

                @plsc.parallel_loop(0, OUT_CHUNK // 16, unroll=8)
                def _(i, h=h, ob=ob):
                    vidx = idx_v[pl.ds(h * OUT_CHUNK + i * 16, 16)]
                    ob[pl.ds(i * 16, 16)] = plsc.load_gather(plane_v, [vidx])

                pltpu.async_copy(
                    ob, out_hbm.at[f, d, pl.ds(h * OUT_CHUNK, OUT_CHUNK)], sem)
            return jnp.bool_(False)

        f0 = p0 // EMB_DIM
        k_split = jnp.minimum(PLANES_PER_W, (f0 + 1) * EMB_DIM - p0)

        spin = lax.fori_loop(
            0, (wid % 4) * 700, lambda i, a: a * 3 + i, wid,
            unroll=False)
        oc0[pl.ds(0, 16)] = jax.lax.broadcast(spin, (16,)).astype(jnp.float32)

        pltpu.sync_copy(x_hbm.at[f0], idx_v)
        first = lax.fori_loop(
            0, k_split, lambda k, fo: do_plane(p0 + k, fo), jnp.bool_(True))

        @pl.when(k_split < PLANES_PER_W)
        def _():
            pltpu.sync_copy(x_hbm.at[f0 + 1], idx_v)
            lax.fori_loop(k_split, PLANES_PER_W,
                          lambda k, fo: do_plane(p0 + k, fo), first)

        pltpu.make_async_copy(
            oc0, out_hbm.at[0, 0, pl.ds(0, OUT_CHUNK)], so0).wait()
        pltpu.make_async_copy(
            oc1, out_hbm.at[0, 0, pl.ds(0, OUT_CHUNK)], so1).wait()

    return run(x_t, tab_t)


def kernel(x, tables):
    tab_t = tables.transpose(0, 2, 1)
    x_t = x.T
    out_t = _sc_lookup(x_t, tab_t)
    return out_t.transpose(2, 0, 1)

# --- scband reference (transcript-rebuilt; emitter-appended) ---
"""Pipeline reference for scband-embeddings-55765855371356 (READ-ONLY COPY).

The authoritative reference and input builder live on the scoring server;
editing this copy changes nothing except your own understanding.
"""

import jax, jax.numpy as jnp
import numpy as np

N_FIELDS = 26
VOCAB = 100000
EMB_DIM = 16
BATCH = 16384


def setup_inputs(seed: int = 0) -> dict:
    key = jax.random.key(seed)
    k_idx, k_tab = jax.random.split(key)
    x = jax.random.randint(k_idx, (BATCH, N_FIELDS), 0, VOCAB, dtype=jnp.int32)
    # one embedding table per field, stacked: [F, V, D]
    tables = jax.random.normal(k_tab, (N_FIELDS, VOCAB, EMB_DIM), dtype=jnp.float32)
    return {"x": x, "tables": tables}


def reference(x, tables):
    # output[:, i, :] = tables[i][x[:, i]]  (per-field embedding lookup, stacked on axis 1)
    out = jax.vmap(lambda t, idx: jnp.take(t, idx, axis=0), in_axes=(0, 1), out_axes=1)(tables, x)
    return out

if __name__ == "__main__":
    import jax
    _d = setup_inputs()
    print(jax.jit(kernel)(*tuple(_d.values())))

</pallas_src>

<mosaic_0001>
#map = affine_map<(d0, d1) -> (0, 0)>
#map1 = affine_map<(d0, d1) -> (0, 0, 0)>
module attributes {stable_mosaic.version = 14 : i64} {
  func.func @run(%arg0: i32, %arg1: i32, %arg2: memref<26x16384xi32, #tpu.memory_space<hbm>>, %arg3: memref<26x16x100000xf32, #tpu.memory_space<hbm>>, %arg4: memref<26x16x16384xf32, #tpu.memory_space<hbm>>, %arg5: memref<100000xf32, #tpu.memory_space<vmem>>, %arg6: memref<16384xi32, #tpu.memory_space<vmem>>, %arg7: memref<4096xf32, #tpu.memory_space<vmem>>, %arg8: memref<4096xf32, #tpu.memory_space<vmem>>, %arg9: memref<!tpu.dma_semaphore, #tpu.memory_space<semaphore_mem>>, %arg10: memref<!tpu.dma_semaphore, #tpu.memory_space<semaphore_mem>>, %arg11: memref<!tpu.dma_semaphore, #tpu.memory_space<semaphore_mem>>, %arg12: memref<!tpu.dma_semaphore, #tpu.memory_space<semaphore_mem>>) attributes {dimension_semantics = [#tpu.dimension_semantics<core_parallel>, #tpu.dimension_semantics<subcore_parallel>], iteration_bounds = array<i64: 2, 16>, scalar_prefetch = 0 : i64, scratch_operands = 8 : i64, tpu.core_type = #tpu.core_type<sc_vector_subcore>, window_params = [{transform_indices = #map}, {transform_indices = #map1}, {transform_indices = #map1}]} {
    %mul3A = arith.constant 2 : i32
    %mul3A_0 = arith.muli %arg1, %mul3A : i32
    %add3A = arith.addi %mul3A_0, %arg0 : i32
    %mul3A_1 = arith.constant 13 : i32
    %mul3A_2 = arith.muli %add3A, %mul3A_1 : i32
    %jit3A = arith.constant 16 : i32
    %div3A = arith.divsi %mul3A_2, %jit3A : i32
    %sign3A = arith.constant 0 : i32
    %sign3A_3 = arith.cmpi sgt, %mul3A_2, %sign3A : i32
    %sign3A_4 = arith.extui %sign3A_3 : i1 to i32
    %sign3A_5 = arith.constant 0 : i32
    %sign3A_6 = arith.cmpi slt, %mul3A_2, %sign3A_5 : i32
    %sign3A_7 = arith.extui %sign3A_6 : i1 to i32
    %sign3A_8 = arith.subi %sign3A_4, %sign3A_7 : i32
    %sign3A_9 = arith.constant 0 : i32
    %sign3A_10 = arith.cmpi sgt, %jit3A, %sign3A_9 : i32
    %sign3A_11 = arith.extui %sign3A_10 : i1 to i32
    %sign3A_12 = arith.constant 0 : i32
    %sign3A_13 = arith.cmpi slt, %jit3A, %sign3A_12 : i32
    %sign3A_14 = arith.extui %sign3A_13 : i1 to i32
    %sign3A_15 = arith.subi %sign3A_11, %sign3A_14 : i32
    %ne3A = arith.cmpi ne, %sign3A_8, %sign3A_15 : i32
    %rem3A = arith.remsi %mul3A_2, %jit3A : i32
    %ne3A_16 = arith.constant 0 : i32
    %ne3A_17 = arith.cmpi ne, %rem3A, %ne3A_16 : i32
    %and3A = arith.andi %ne3A, %ne3A_17 : i1
    %sub3A = arith.constant 1 : i32
    %sub3A_18 = arith.subi %div3A, %sub3A : i32
    %select_n3A = arith.select %and3A, %sub3A_18, %div3A : i32
    %add3A_19 = arith.constant 1 : i32
    %add3A_20 = arith.addi %select_n3A, %add3A_19 : i32
    %mul3A_21 = arith.constant 16 : i32
    %mul3A_22 = arith.muli %add3A_20, %mul3A_21 : i32
    %sub3A_23 = arith.subi %mul3A_22, %mul3A_2 : i32
    %min3A = arith.constant 13 : i32
    %min3A_24 = arith.minsi %min3A, %sub3A_23 : i32
    %jit3A_25 = arith.constant 4 : i32
    %eq3A = arith.constant 0 : i32
    %eq3A_26 = arith.cmpi eq, %jit3A_25, %eq3A : i32
    %jit3A_27 = arith.constant 1 : i32
    %select_n3A_28 = arith.select %eq3A_26, %jit3A_27, %jit3A_25 : i32
    %rem3A_29 = arith.remsi %add3A, %select_n3A_28 : i32
    %ne3A_30 = arith.constant 0 : i32
    %ne3A_31 = arith.cmpi ne, %rem3A_29, %ne3A_30 : i32
    %lt3A = arith.constant 0 : i32
    %lt3A_32 = arith.cmpi slt, %rem3A_29, %lt3A : i32
    %lt3A_33 = arith.constant 0 : i32
    %lt3A_34 = arith.cmpi slt, %select_n3A_28, %lt3A_33 : i32
    %ne3A_35 = arith.xori %lt3A_32, %lt3A_34 : i1
    %and3A_36 = arith.andi %ne3A_35, %ne3A_31 : i1
    %add3A_37 = arith.addi %rem3A_29, %select_n3A_28 : i32
    %select_n3A_38 = arith.select %and3A_36, %add3A_37, %rem3A_29 : i32
    %mul3A_39 = arith.constant 700 : i32
    %mul3A_40 = arith.muli %select_n3A_38, %mul3A_39 : i32
    %while3A = arith.constant 0 : i32
    %while3A_41 = arith.subi %mul3A_40, %while3A : i32
    %while3A_42 = arith.addi %while3A, %while3A_41 : i32
    %while3A_43 = arith.constant 1 : i32
    %while3A_44 = arith.divsi %while3A_41, %while3A_43 : i32
    %while3A_45 = arith.muli %while3A_44, %while3A_43 : i32
    %while3A_46 = arith.addi %while3A, %while3A_45 : i32
    %while3A_47 = arith.constant 1 : i32
    %while3A_48 = scf.for %while3A_83 = %while3A to %while3A_46 step %while3A_47 iter_args(%while3A_84 = %add3A) -> (i32)  : i32 {
      %mul3A_85 = arith.constant 3 : i32
      %mul3A_86 = arith.muli %while3A_84, %mul3A_85 : i32
      %add3A_87 = arith.addi %mul3A_86, %while3A_83 : i32
      scf.yield %add3A_87 : i32
    }
    %while3A_49 = arith.constant 1 : i32
    %while3A_50 = scf.for %while3A_83 = %while3A_46 to %while3A_42 step %while3A_49 iter_args(%while3A_84 = %while3A_48) -> (i32)  : i32 {
      %mul3A_85 = arith.constant 3 : i32
      %mul3A_86 = arith.muli %while3A_84, %mul3A_85 : i32
      %add3A_87 = arith.addi %mul3A_86, %while3A_83 : i32
      scf.yield %add3A_87 : i32
    }
    %broadcast_in_dim3A = vector.broadcast %while3A_50 : i32 to vector<16xi32>
    %convert_element_type3A = arith.sitofp %broadcast_in_dim3A : vector<16xi32> to vector<16xf32>
    %swap3A = arith.constant 0 : index
    %swap3A_51 = tpu.vector_load %arg7[%swap3A] {strides = array<i32>} : memref<4096xf32, #tpu.memory_space<vmem>>, vector<16xf32>,
    tpu.vector_store %arg7[%swap3A], %convert_element_type3A {strides = array<i32>} : memref<4096xf32, #tpu.memory_space<vmem>>, vector<16xf32>,
    "tpu.region"() ({
      %run_scoped3A = tpu.sem_alloc : memref<!tpu.dma_semaphore, #tpu.memory_space<semaphore_mem>>
      %dma_start3A = arith.constant 0 : i32
      %dma_start3A_83 = tpu.memref_slice %arg2[%select_n3A, %dma_start3A] : memref<26x16384xi32, #tpu.memory_space<hbm>> -> memref<1x16384xi32, #tpu.memory_space<hbm>>
      %dma_start3A_84 = tpu.memref_squeeze %dma_start3A_83 : memref<1x16384xi32, #tpu.memory_space<hbm>> -> memref<16384xi32, #tpu.memory_space<hbm>>
      %dma_start3A_85 = arith.constant 0 : i32
      %dma_start3A_86 = tpu.memref_slice %arg2[%select_n3A, %dma_start3A_85] : memref<26x16384xi32, #tpu.memory_space<hbm>> -> memref<1x16384xi32, #tpu.memory_space<hbm>>
      %dma_start3A_87 = tpu.memref_squeeze %dma_start3A_86 : memref<1x16384xi32, #tpu.memory_space<hbm>> -> memref<16384xi32, #tpu.memory_space<hbm>>
      tpu.enqueue_dma source(%dma_start3A_87 : memref<16384xi32, #tpu.memory_space<hbm>>) target(%arg6 : memref<16384xi32, #tpu.memory_space<vmem>>) target_semaphore(%run_scoped3A : memref<!tpu.dma_semaphore, #tpu.memory_space<semaphore_mem>>)
      %dma_wait3A_88 = arith.constant 0 : i32
      %dma_wait3A_89 = tpu.memref_slice %arg2[%select_n3A, %dma_wait3A_88] : memref<26x16384xi32, #tpu.memory_space<hbm>> -> memref<1x16384xi32, #tpu.memory_space<hbm>>
      %dma_wait3A_90 = tpu.memref_squeeze %dma_wait3A_89 : memref<1x16384xi32, #tpu.memory_space<hbm>> -> memref<16384xi32, #tpu.memory_space<hbm>>
      %dma_wait3A_91 = arith.constant 0 : i32
      %dma_wait3A_92 = tpu.memref_slice %arg2[%select_n3A, %dma_wait3A_91] : memref<26x16384xi32, #tpu.memory_space<hbm>> -> memref<1x16384xi32, #tpu.memory_space<hbm>>
      %dma_wait3A_93 = tpu.memref_squeeze %dma_wait3A_92 : memref<1x16384xi32, #tpu.memory_space<hbm>> -> memref<16384xi32, #tpu.memory_space<hbm>>
      tpu.wait_dma2 semaphore(%run_scoped3A : memref<!tpu.dma_semaphore, #tpu.memory_space<semaphore_mem>>) src(%dma_wait3A_93 : memref<16384xi32, #tpu.memory_space<hbm>>) dst(%arg6 : memref<16384xi32, #tpu.memory_space<vmem>>)
      tpu.yield
    }) : () -> ()
    %while3A_52 = arith.constant 0 : i32
    %while3A_53 = arith.constant true
    %while3A_54 = arith.subi %min3A_24, %while3A_52 : i32
    %while3A_55 = arith.addi %while3A_52, %while3A_54 : i32
    %while3A_56 = arith.constant 1 : i32
    %while3A_57 = arith.divsi %while3A_54, %while3A_56 : i32
    %while3A_58 = arith.muli %while3A_57, %while3A_56 : i32
    %while3A_59 = arith.addi %while3A_52, %while3A_58 : i32
    %while3A_60 = arith.constant 1 : i32
    %while3A_61 = scf.for %while3A_83 = %while3A_52 to %while3A_59 step %while3A_60 iter_args(%while3A_84 = %while3A_53) -> (i1)  : i32 {
      %add3A_85 = arith.addi %mul3A_2, %while3A_83 : i32
      %jit3A_86 = arith.constant 16 : i32
      %div3A_87 = arith.divsi %add3A_85, %jit3A_86 : i32
      %sign3A_88 = arith.constant 0 : i32
      %sign3A_89 = arith.cmpi sgt, %add3A_85, %sign3A_88 : i32
      %sign3A_90 = arith.extui %sign3A_89 : i1 to i32
      %sign3A_91 = arith.constant 0 : i32
      %sign3A_92 = arith.cmpi slt, %add3A_85, %sign3A_91 : i32
      %sign3A_93 = arith.extui %sign3A_92 : i1 to i32
      %sign3A_94 = arith.subi %sign3A_90, %sign3A_93 : i32
      %sign3A_95 = arith.constant 0 : i32
      %sign3A_96 = arith.cmpi sgt, %jit3A_86, %sign3A_95 : i32
      %sign3A_97 = arith.extui %sign3A_96 : i1 to i32
      %sign3A_98 = arith.constant 0 : i32
      %sign3A_99 = arith.cmpi slt, %jit3A_86, %sign3A_98 : i32
      %sign3A_100 = arith.extui %sign3A_99 : i1 to i32
      %sign3A_101 = arith.subi %sign3A_97, %sign3A_100 : i32
      %ne3A_102 = arith.cmpi ne, %sign3A_94, %sign3A_101 : i32
      %rem3A_103 = arith.remsi %add3A_85, %jit3A_86 : i32
      %ne3A_104 = arith.constant 0 : i32
      %ne3A_105 = arith.cmpi ne, %rem3A_103, %ne3A_104 : i32
      %and3A_106 = arith.andi %ne3A_102, %ne3A_105 : i1
      %sub3A_107 = arith.constant 1 : i32
      %sub3A_108 = arith.subi %div3A_87, %sub3A_107 : i32
      %select_n3A_109 = arith.select %and3A_106, %sub3A_108, %div3A_87 : i32
      %jit3A_110 = arith.constant 16 : i32
      %eq3A_111 = arith.constant 0 : i32
      %eq3A_112 = arith.cmpi eq, %jit3A_110, %eq3A_111 : i32
      %jit3A_113 = arith.constant 1 : i32
      %select_n3A_114 = arith.select %eq3A_112, %jit3A_113, %jit3A_110 : i32
      %rem3A_115 = arith.remsi %add3A_85, %select_n3A_114 : i32
      %ne3A_116 = arith.constant 0 : i32
      %ne3A_117 = arith.cmpi ne, %rem3A_115, %ne3A_116 : i32
      %lt3A_118 = arith.constant 0 : i32
      %lt3A_119 = arith.cmpi slt, %rem3A_115, %lt3A_118 : i32
      %lt3A_120 = arith.constant 0 : i32
      %lt3A_121 = arith.cmpi slt, %select_n3A_114, %lt3A_120 : i32
      %ne3A_122 = arith.xori %lt3A_119, %lt3A_121 : i1
      %and3A_123 = arith.andi %ne3A_122, %ne3A_117 : i1
      %add3A_124 = arith.addi %rem3A_115, %select_n3A_114 : i32
      %select_n3A_125 = arith.select %and3A_123, %add3A_124, %rem3A_115 : i32
      %dma_start3A = arith.constant 0 : i32
      %dma_start3A_126 = tpu.memref_slice %arg3[%select_n3A_109, %select_n3A_125, %dma_start3A] : memref<26x16x100000xf32, #tpu.memory_space<hbm>> -> memref<1x1x100000xf32, #tpu.memory_space<hbm>>
      %dma_start3A_127 = tpu.memref_squeeze %dma_start3A_126 : memref<1x1x100000xf32, #tpu.memory_space<hbm>> -> memref<100000xf32, #tpu.memory_space<hbm>>
      %dma_start3A_128 = arith.constant 0 : i32
      %dma_start3A_129 = tpu.memref_slice %arg3[%select_n3A_109, %select_n3A_125, %dma_start3A_128] : memref<26x16x100000xf32, #tpu.memory_space<hbm>> -> memref<1x1x100000xf32, #tpu.memory_space<hbm>>
      %dma_start3A_130 = tpu.memref_squeeze %dma_start3A_129 : memref<1x1x100000xf32, #tpu.memory_space<hbm>> -> memref<100000xf32, #tpu.memory_space<hbm>>
      tpu.enqueue_dma source(%dma_start3A_130 : memref<100000xf32, #tpu.memory_space<hbm>>) target(%arg5 : memref<100000xf32, #tpu.memory_space<vmem>>) target_semaphore(%arg9 : memref<!tpu.dma_semaphore, #tpu.memory_space<semaphore_mem>>)
      %dma_wait3A_131 = arith.constant 0 : i32
      %dma_wait3A_132 = tpu.memref_slice %arg3[%select_n3A_109, %select_n3A_125, %dma_wait3A_131] : memref<26x16x100000xf32, #tpu.memory_space<hbm>> -> memref<1x1x100000xf32, #tpu.memory_space<hbm>>
      %dma_wait3A_133 = tpu.memref_squeeze %dma_wait3A_132 : memref<1x1x100000xf32, #tpu.memory_space<hbm>> -> memref<100000xf32, #tpu.memory_space<hbm>>
      %dma_wait3A_134 = arith.constant 0 : i32
      %dma_wait3A_135 = tpu.memref_slice %arg3[%select_n3A_109, %select_n3A_125, %dma_wait3A_134] : memref<26x16x100000xf32, #tpu.memory_space<hbm>> -> memref<1x1x100000xf32, #tpu.memory_space<hbm>>
      %dma_wait3A_136 = tpu.memref_squeeze %dma_wait3A_135 : memref<1x1x100000xf32, #tpu.memory_space<hbm>> -> memref<100000xf32, #tpu.memory_space<hbm>>
      tpu.wait_dma2 semaphore(%arg9 : memref<!tpu.dma_semaphore, #tpu.memory_space<semaphore_mem>>) src(%dma_wait3A_136 : memref<100000xf32, #tpu.memory_space<hbm>>) dst(%arg5 : memref<100000xf32, #tpu.memory_space<vmem>>)
      %not3A = arith.constant true
      %not3A_137 = arith.xori %while3A_84, %not3A : i1
      %convert_element_type3A_138 = arith.extui %not3A_137 : i1 to i32
      %cond3A_139 = arith.constant 0 : i32
      %cond3A_140 = arith.cmpi ne, %convert_element_type3A_138, %cond3A_139 : i32
      scf.if %cond3A_140 {
        %dma_wait3A_198 = arith.constant 0 : i32
        %dma_wait3A_199 = arith.constant 0 : i32
        %dma_wait3A_200 = arith.constant 0 : i32
        %dma_wait3A_201 = tpu.memref_slice %arg4[%dma_wait3A_198, %dma_wait3A_199, %dma_wait3A_200] : memref<26x16x16384xf32, #tpu.memory_space<hbm>> -> memref<1x1x4096xf32, #tpu.memory_space<hbm>>
        %dma_wait3A_202 = tpu.memref_squeeze %dma_wait3A_201 : memref<1x1x4096xf32, #tpu.memory_space<hbm>> -> memref<4096xf32, #tpu.memory_space<hbm>>
        %dma_wait3A_203 = arith.constant 0 : i32
        %dma_wait3A_204 = tpu.memref_slice %arg4[%dma_wait3A_198, %dma_wait3A_199, %dma_wait3A_203] : memref<26x16x16384xf32, #tpu.memory_space<hbm>> -> memref<1x1x4096xf32, #tpu.memory_space<hbm>>
        %dma_wait3A_205 = tpu.memref_squeeze %dma_wait3A_204 : memref<1x1x4096xf32, #tpu.memory_space<hbm>> -> memref<4096xf32, #tpu.memory_space<hbm>>
        tpu.wait_dma2 semaphore(%arg11 : memref<!tpu.dma_semaphore, #tpu.memory_space<semaphore_mem>>) src(%arg7 : memref<4096xf32, #tpu.memory_space<vmem>>) dst(%dma_wait3A_205 : memref<4096xf32, #tpu.memory_space<hbm>>)
      } else {
      }
      %parallel_loop3A = arith.constant 0 : i32
      %parallel_loop3A_141 = arith.constant 256 : i32
      %parallel_loop3A_142 = arith.constant 1 : i32
      scf.for %parallel_loop3A_198 = %parallel_loop3A to %parallel_loop3A_141 step %parallel_loop3A_142  : i32 {
        %parallel_loop3A_199 = arith.constant 16 : i32
        %parallel_loop3A_200 = arith.muli %parallel_loop3A_198, %parallel_loop3A_199 : i32
        %parallel_loop3A_201 = arith.constant 0 : i32
        %parallel_loop3A_202 = arith.addi %parallel_loop3A_201, %parallel_loop3A_200 : i32
        %parallel_loop3A_203 = arith.index_cast %parallel_loop3A_202 : i32 to index
        %parallel_loop3A_204 = tpu.vector_load %arg6[%parallel_loop3A_203] {strides = array<i32>} : memref<16384xi32, #tpu.memory_space<vmem>>, vector<16xi32>,
        %parallel_loop3A_205 = tpu.vector_load_idx %arg5[%parallel_loop3A_204] : memref<100000xf32, #tpu.memory_space<vmem>>[vector<16xi32>], vector<16xf32>,
        %parallel_loop3A_206 = arith.constant 16 : i32
        %parallel_loop3A_207 = arith.muli %parallel_loop3A_198, %parallel_loop3A_206 : i32
        %parallel_loop3A_208 = arith.index_cast %parallel_loop3A_207 : i32 to index
        %parallel_loop3A_209 = tpu.vector_load %arg7[%parallel_loop3A_208] {strides = array<i32>} : memref<4096xf32, #tpu.memory_space<vmem>>, vector<16xf32>,
        tpu.vector_store %arg7[%parallel_loop3A_208], %parallel_loop3A_205 {strides = array<i32>} : memref<4096xf32, #tpu.memory_space<vmem>>, vector<16xf32>,
      } {sc.loop_unroll_factor = 8 : i64, sc.parallel_access}
      %dma_start3A_143 = arith.constant 0 : i32
      %dma_start3A_144 = tpu.memref_slice %arg4[%select_n3A_109, %select_n3A_125, %dma_start3A_143] : memref<26x16x16384xf32, #tpu.memory_space<hbm>> -> memref<1x1x4096xf32, #tpu.memory_space<hbm>>
      %dma_start3A_145 = tpu.memref_squeeze %dma_start3A_144 : memref<1x1x4096xf32, #tpu.memory_space<hbm>> -> memref<4096xf32, #tpu.memory_space<hbm>>
      %dma_start3A_146 = arith.constant 0 : i32
      %dma_start3A_147 = tpu.memref_slice %arg4[%select_n3A_109, %select_n3A_125, %dma_start3A_146] : memref<26x16x16384xf32, #tpu.memory_space<hbm>> -> memref<1x1x4096xf32, #tpu.memory_space<hbm>>
      %dma_start3A_148 = tpu.memref_squeeze %dma_start3A_147 : memref<1x1x4096xf32, #tpu.memory_space<hbm>> -> memref<4096xf32, #tpu.memory_space<hbm>>
      tpu.enqueue_dma source(%arg7 : memref<4096xf32, #tpu.memory_space<vmem>>) target(%dma_start3A_148 : memref<4096xf32, #tpu.memory_space<hbm>>) target_semaphore(%arg11 : memref<!tpu.dma_semaphore, #tpu.memory_space<semaphore_mem>>)
      %not3A_149 = arith.constant true
      %not3A_150 = arith.xori %while3A_84, %not3A_149 : i1
      %convert_element_type3A_151 = arith.extui %not3A_150 : i1 to i32
      %cond3A_152 = arith.constant 0 : i32
      %cond3A_153 = arith.cmpi ne, %convert_element_type3A_151, %cond3A_152 : i32
      scf.if %cond3A_153 {
        %dma_wait3A_198 = arith.constant 0 : i32
        %dma_wait3A_199 = arith.constant 0 : i32
        %dma_wait3A_200 = arith.constant 0 : i32
        %dma_wait3A_201 = tpu.memref_slice %arg4[%dma_wait3A_198, %dma_wait3A_199, %dma_wait3A_200] : memref<26x16x16384xf32, #tpu.memory_space<hbm>> -> memref<1x1x4096xf32, #tpu.memory_space<hbm>>
        %dma_wait3A_202 = tpu.memref_squeeze %dma_wait3A_201 : memref<1x1x4096xf32, #tpu.memory_space<hbm>> -> memref<4096xf32, #tpu.memory_space<hbm>>
        %dma_wait3A_203 = arith.constant 0 : i32
        %dma_wait3A_204 = tpu.memref_slice %arg4[%dma_wait3A_198, %dma_wait3A_199, %dma_wait3A_203] : memref<26x16x16384xf32, #tpu.memory_space<hbm>> -> memref<1x1x4096xf32, #tpu.memory_space<hbm>>
        %dma_wait3A_205 = tpu.memref_squeeze %dma_wait3A_204 : memref<1x1x4096xf32, #tpu.memory_space<hbm>> -> memref<4096xf32, #tpu.memory_space<hbm>>
        tpu.wait_dma2 semaphore(%arg12 : memref<!tpu.dma_semaphore, #tpu.memory_space<semaphore_mem>>) src(%arg8 : memref<4096xf32, #tpu.memory_space<vmem>>) dst(%dma_wait3A_205 : memref<4096xf32, #tpu.memory_space<hbm>>)
      } else {
      }
      %parallel_loop3A_154 = arith.constant 0 : i32
      %parallel_loop3A_155 = arith.constant 256 : i32
      %parallel_loop3A_156 = arith.constant 1 : i32
      scf.for %parallel_loop3A_198 = %parallel_loop3A_154 to %parallel_loop3A_155 step %parallel_loop3A_156  : i32 {
        %parallel_loop3A_199 = arith.constant 16 : i32
        %parallel_loop3A_200 = arith.muli %parallel_loop3A_198, %parallel_loop3A_199 : i32
        %parallel_loop3A_201 = arith.constant 4096 : i32
        %parallel_loop3A_202 = arith.addi %parallel_loop3A_201, %parallel_loop3A_200 : i32
        %parallel_loop3A_203 = arith.index_cast %parallel_loop3A_202 : i32 to index
        %parallel_loop3A_204 = tpu.vector_load %arg6[%parallel_loop3A_203] {strides = array<i32>} : memref<16384xi32, #tpu.memory_space<vmem>>, vector<16xi32>,
        %parallel_loop3A_205 = tpu.vector_load_idx %arg5[%parallel_loop3A_204] : memref<100000xf32, #tpu.memory_space<vmem>>[vector<16xi32>], vector<16xf32>,
        %parallel_loop3A_206 = arith.constant 16 : i32
        %parallel_loop3A_207 = arith.muli %parallel_loop3A_198, %parallel_loop3A_206 : i32
        %parallel_loop3A_208 = arith.index_cast %parallel_loop3A_207 : i32 to index
        %parallel_loop3A_209 = tpu.vector_load %arg8[%parallel_loop3A_208] {strides = array<i32>} : memref<4096xf32, #tpu.memory_space<vmem>>, vector<16xf32>,
        tpu.vector_store %arg8[%parallel_loop3A_208], %parallel_loop3A_205 {strides = array<i32>} : memref<4096xf32, #tpu.memory_space<vmem>>, vector<16xf32>,
      } {sc.loop_unroll_factor = 8 : i64, sc.parallel_access}
      %dma_start3A_157 = arith.constant 4096 : i32
      %dma_start3A_158 = tpu.memref_slice %arg4[%select_n3A_109, %select_n3A_125, %dma_start3A_157] : memref<26x16x16384xf32, #tpu.memory_space<hbm>> -> memref<1x1x4096xf32, #tpu.memory_space<hbm>>
      %dma_start3A_159 = tpu.memref_squeeze %dma_start3A_158 : memref<1x1x4096xf32, #tpu.memory_space<hbm>> -> memref<4096xf32, #tpu.memory_space<hbm>>
      %dma_start3A_160 = arith.constant 4096 : i32
      %dma_start3A_161 = tpu.memref_slice %arg4[%select_n3A_109, %select_n3A_125, %dma_start3A_160] : memref<26x16x16384xf32, #tpu.memory_space<hbm>> -> memref<1x1x4096xf32, #tpu.memory_space<hbm>>
      %dma_start3A_162 = tpu.memref_squeeze %dma_start3A_161 : memref<1x1x4096xf32, #tpu.memory_space<hbm>> -> memref<4096xf32, #tpu.memory_space<hbm>>
      tpu.enqueue_dma source(%arg8 : memref<4096xf32, #tpu.memory_space<vmem>>) target(%dma_start3A_162 : memref<4096xf32, #tpu.memory_space<hbm>>) target_semaphore(%arg12 : memref<!tpu.dma_semaphore, #tpu.memory_space<semaphore_mem>>)
      %dma_wait3A_163 = arith.constant 0 : i32
      %dma_wait3A_164 = arith.constant 0 : i32
      %dma_wait3A_165 = arith.constant 0 : i32
      %dma_wait3A_166 = tpu.memref_slice %arg4[%dma_wait3A_163, %dma_wait3A_164, %dma_wait3A_165] : memref<26x16x16384xf32, #tpu.memory_space<hbm>> -> memref<1x1x4096xf32, #tpu.memory_space<hbm>>
      %dma_wait3A_167 = tpu.memref_squeeze %dma_wait3A_166 : memref<1x1x4096xf32, #tpu.memory_space<hbm>> -> memref<4096xf32, #tpu.memory_space<hbm>>
      %dma_wait3A_168 = arith.constant 0 : i32
      %dma_wait3A_169 = tpu.memref_slice %arg4[%dma_wait3A_163, %dma_wait3A_164, %dma_wait3A_168] : memref<26x16x16384xf32, #tpu.memory_space<hbm>> -> memref<1x1x4096xf32, #tpu.memory_space<hbm>>
      %dma_wait3A_170 = tpu.memref_squeeze %dma_wait3A_169 : memref<1x1x4096xf32, #tpu.memory_space<hbm>> -> memref<4096xf32, #tpu.memory_space<hbm>>
      tpu.wait_dma2 semaphore(%arg11 : memref<!tpu.dma_semaphore, #tpu.memory_space<semaphore_mem>>) src(%arg7 : memref<4096xf32, #tpu.memory_space<vmem>>) dst(%dma_wait3A_170 : memref<4096xf32, #tpu.memory_space<hbm>>)
      %parallel_loop3A_171 = arith.constant 0 : i32
      %parallel_loop3A_172 = arith.constant 256 : i32
      %parallel_loop3A_173 = arith.constant 1 : i32
      scf.for %parallel_loop3A_198 = %parallel_loop3A_171 to %parallel_loop3A_172 step %parallel_loop3A_173  : i32 {
        %parallel_loop3A_199 = arith.constant 16 : i32
        %parallel_loop3A_200 = arith.muli %parallel_loop3A_198, %parallel_loop3A_199 : i32
        %parallel_loop3A_201 = arith.constant 8192 : i32
        %parallel_loop3A_202 = arith.addi %parallel_loop3A_201, %parallel_loop3A_200 : i32
        %parallel_loop3A_203 = arith.index_cast %parallel_loop3A_202 : i32 to index
        %parallel_loop3A_204 = tpu.vector_load %arg6[%parallel_loop3A_203] {strides = array<i32>} : memref<16384xi32, #tpu.memory_space<vmem>>, vector<16xi32>,
        %parallel_loop3A_205 = tpu.vector_load_idx %arg5[%parallel_loop3A_204] : memref<100000xf32, #tpu.memory_space<vmem>>[vector<16xi32>], vector<16xf32>,
        %parallel_loop3A_206 = arith.constant 16 : i32
        %parallel_loop3A_207 = arith.muli %parallel_loop3A_198, %parallel_loop3A_206 : i32
        %parallel_loop3A_208 = arith.index_cast %parallel_loop3A_207 : i32 to index
        %parallel_loop3A_209 = tpu.vector_load %arg7[%parallel_loop3A_208] {strides = array<i32>} : memref<4096xf32, #tpu.memory_space<vmem>>, vector<16xf32>,
        tpu.vector_store %arg7[%parallel_loop3A_208], %parallel_loop3A_205 {strides = array<i32>} : memref<4096xf32, #tpu.memory_space<vmem>>, vector<16xf32>,
      } {sc.loop_unroll_factor = 8 : i64, sc.parallel_access}
      %dma_start3A_174 = arith.constant 8192 : i32
      %dma_start3A_175 = tpu.memref_slice %arg4[%select_n3A_109, %select_n3A_125, %dma_start3A_174] : memref<26x16x16384xf32, #tpu.memory_space<hbm>> -> memref<1x1x4096xf32, #tpu.memory_space<hbm>>
      %dma_start3A_176 = tpu.memref_squeeze %dma_start3A_175 : memref<1x1x4096xf32, #tpu.memory_space<hbm>> -> memref<4096xf32, #tpu.memory_space<hbm>>
      %dma_start3A_177 = arith.constant 8192 : i32
      %dma_start3A_178 = tpu.memref_slice %arg4[%select_n3A_109, %select_n3A_125, %dma_start3A_177] : memref<26x16x16384xf32, #tpu.memory_space<hbm>> -> memref<1x1x4096xf32, #tpu.memory_space<hbm>>
      %dma_start3A_179 = tpu.memref_squeeze %dma_start3A_178 : memref<1x1x4096xf32, #tpu.memory_space<hbm>> -> memref<4096xf32, #tpu.memory_space<hbm>>
      tpu.enqueue_dma source(%arg7 : memref<4096xf32, #tpu.memory_space<vmem>>) target(%dma_start3A_179 : memref<4096xf32, #tpu.memory_space<hbm>>) target_semaphore(%arg11 : memref<!tpu.dma_semaphore, #tpu.memory_space<semaphore_mem>>)
      %dma_wait3A_180 = arith.constant 0 : i32
      %dma_wait3A_181 = arith.constant 0 : i32
      %dma_wait3A_182 = arith.constant 0 : i32
      %dma_wait3A_183 = tpu.memref_slice %arg4[%dma_wait3A_180, %dma_wait3A_181, %dma_wait3A_182] : memref<26x16x16384xf32, #tpu.memory_space<hbm>> -> memref<1x1x4096xf32, #tpu.memory_space<hbm>>
      %dma_wait3A_184 = tpu.memref_squeeze %dma_wait3A_183 : memref<1x1x4096xf32, #tpu.memory_space<hbm>> -> memref<4096xf32, #tpu.memory_space<hbm>>
      %dma_wait3A_185 = arith.constant 0 : i32
      %dma_wait3A_186 = tpu.memref_slice %arg4[%dma_wait3A_180, %dma_wait3A_181, %dma_wait3A_185] : memref<26x16x16384xf32, #tpu.memory_space<hbm>> -> memref<1x1x4096xf32, #tpu.memory_space<hbm>>
      %dma_wait3A_187 = tpu.memref_squeeze %dma_wait3A_186 : memref<1x1x4096xf32, #tpu.memory_space<hbm>> -> memref<4096xf32, #tpu.memory_space<hbm>>
      tpu.wait_dma2 semaphore(%arg12 : memref<!tpu.dma_semaphore, #tpu.memory_space<semaphore_mem>>) src(%arg8 : memref<4096xf32, #tpu.memory_space<vmem>>) dst(%dma_wait3A_187 : memref<4096xf32, #tpu.memory_space<hbm>>)
      %parallel_loop3A_188 = arith.constant 0 : i32
      %parallel_loop3A_189 = arith.constant 256 : i32
      %parallel_loop3A_190 = arith.constant 1 : i32
      scf.for %parallel_loop3A_198 = %parallel_loop3A_188 to %parallel_loop3A_189 step %parallel_loop3A_190  : i32 {
        %parallel_loop3A_199 = arith.constant 16 : i32
        %parallel_loop3A_200 = arith.muli %parallel_loop3A_198, %parallel_loop3A_199 : i32
        %parallel_loop3A_201 = arith.constant 12288 : i32
        %parallel_loop3A_202 = arith.addi %parallel_loop3A_201, %parallel_loop3A_200 : i32
        %parallel_loop3A_203 = arith.index_cast %parallel_loop3A_202 : i32 to index
        %parallel_loop3A_204 = tpu.vector_load %arg6[%parallel_loop3A_203] {strides = array<i32>} : memref<16384xi32, #tpu.memory_space<vmem>>, vector<16xi32>,
        %parallel_loop3A_205 = tpu.vector_load_idx %arg5[%parallel_loop3A_204] : memref<100000xf32, #tpu.memory_space<vmem>>[vector<16xi32>], vector<16xf32>,
        %parallel_loop3A_206 = arith.constant 16 : i32
        %parallel_loop3A_207 = arith.muli %parallel_loop3A_198, %parallel_loop3A_206 : i32
        %parallel_loop3A_208 = arith.index_cast %parallel_loop3A_207 : i32 to index
        %parallel_loop3A_209 = tpu.vector_load %arg8[%parallel_loop3A_208] {strides = array<i32>} : memref<4096xf32, #tpu.memory_space<vmem>>, vector<16xf32>,
        tpu.vector_store %arg8[%parallel_loop3A_208], %parallel_loop3A_205 {strides = array<i32>} : memref<4096xf32, #tpu.memory_space<vmem>>, vector<16xf32>,
      } {sc.loop_unroll_factor = 8 : i64, sc.parallel_access}
      %dma_start3A_191 = arith.constant 12288 : i32
      %dma_start3A_192 = tpu.memref_slice %arg4[%select_n3A_109, %select_n3A_125, %dma_start3A_191] : memref<26x16x16384xf32, #tpu.memory_space<hbm>> -> memref<1x1x4096xf32, #tpu.memory_space<hbm>>
      %dma_start3A_193 = tpu.memref_squeeze %dma_start3A_192 : memref<1x1x4096xf32, #tpu.memory_space<hbm>> -> memref<4096xf32, #tpu.memory_space<hbm>>
      %dma_start3A_194 = arith.constant 12288 : i32
      %dma_start3A_195 = tpu.memref_slice %arg4[%select_n3A_109, %select_n3A_125, %dma_start3A_194] : memref<26x16x16384xf32, #tpu.memory_space<hbm>> -> memref<1x1x4096xf32, #tpu.memory_space<hbm>>
      %dma_start3A_196 = tpu.memref_squeeze %dma_start3A_195 : memref<1x1x4096xf32, #tpu.memory_space<hbm>> -> memref<4096xf32, #tpu.memory_space<hbm>>
      tpu.enqueue_dma source(%arg8 : memref<4096xf32, #tpu.memory_space<vmem>>) target(%dma_start3A_196 : memref<4096xf32, #tpu.memory_space<hbm>>) target_semaphore(%arg12 : memref<!tpu.dma_semaphore, #tpu.memory_space<semaphore_mem>>)
      %while3A_197 = arith.constant false
      scf.yield %while3A_197 : i1
    }
    %while3A_62 = arith.constant 1 : i32
    %while3A_63 = scf.for %while3A_83 = %while3A_59 to %while3A_55 step %while3A_62 iter_args(%while3A_84 = %while3A_61) -> (i1)  : i32 {
      %add3A_85 = arith.addi %mul3A_2, %while3A_83 : i32
      %jit3A_86 = arith.constant 16 : i32
      %div3A_87 = arith.divsi %add3A_85, %jit3A_86 : i32
      %sign3A_88 = arith.constant 0 : i32
      %sign3A_89 = arith.cmpi sgt, %add3A_85, %sign3A_88 : i32
      %sign3A_90 = arith.extui %sign3A_89 : i1 to i32
      %sign3A_91 = arith.constant 0 : i32
      %sign3A_92 = arith.cmpi slt, %add3A_85, %sign3A_91 : i32
      %sign3A_93 = arith.extui %sign3A_92 : i1 to i32
      %sign3A_94 = arith.subi %sign3A_90, %sign3A_93 : i32
      %sign3A_95 = arith.constant 0 : i32
      %sign3A_96 = arith.cmpi sgt, %jit3A_86, %sign3A_95 : i32
      %sign3A_97 = arith.extui %sign3A_96 : i1 to i32
      %sign3A_98 = arith.constant 0 : i32
      %sign3A_99 = arith.cmpi slt, %jit3A_86, %sign3A_98 : i32
      %sign3A_100 = arith.extui %sign3A_99 : i1 to i32
      %sign3A_101 = arith.subi %sign3A_97, %sign3A_100 : i32
      %ne3A_102 = arith.cmpi ne, %sign3A_94, %sign3A_101 : i32
      %rem3A_103 = arith.remsi %add3A_85, %jit3A_86 : i32
      %ne3A_104 = arith.constant 0 : i32
      %ne3A_105 = arith.cmpi ne, %rem3A_103, %ne3A_104 : i32
      %and3A_106 = arith.andi %ne3A_102, %ne3A_105 : i1
      %sub3A_107 = arith.constant 1 : i32
      %sub3A_108 = arith.subi %div3A_87, %sub3A_107 : i32
      %select_n3A_109 = arith.select %and3A_106, %sub3A_108, %div3A_87 : i32
      %jit3A_110 = arith.constant 16 : i32
      %eq3A_111 = arith.constant 0 : i32
      %eq3A_112 = arith.cmpi eq, %jit3A_110, %eq3A_111 : i32
      %jit3A_113 = arith.constant 1 : i32
      %select_n3A_114 = arith.select %eq3A_112, %jit3A_113, %jit3A_110 : i32
      %rem3A_115 = arith.remsi %add3A_85, %select_n3A_114 : i32
      %ne3A_116 = arith.constant 0 : i32
      %ne3A_117 = arith.cmpi ne, %rem3A_115, %ne3A_116 : i32
      %lt3A_118 = arith.constant 0 : i32
      %lt3A_119 = arith.cmpi slt, %rem3A_115, %lt3A_118 : i32
      %lt3A_120 = arith.constant 0 : i32
      %lt3A_121 = arith.cmpi slt, %select_n3A_114, %lt3A_120 : i32
      %ne3A_122 = arith.xori %lt3A_119, %lt3A_121 : i1
      %and3A_123 = arith.andi %ne3A_122, %ne3A_117 : i1
      %add3A_124 = arith.addi %rem3A_115, %select_n3A_114 : i32
      %select_n3A_125 = arith.select %and3A_123, %add3A_124, %rem3A_115 : i32
      %dma_start3A = arith.constant 0 : i32
      %dma_start3A_126 = tpu.memref_slice %arg3[%select_n3A_109, %select_n3A_125, %dma_start3A] : memref<26x16x100000xf32, #tpu.memory_space<hbm>> -> memref<1x1x100000xf32, #tpu.memory_space<hbm>>
      %dma_start3A_127 = tpu.memref_squeeze %dma_start3A_126 : memref<1x1x100000xf32, #tpu.memory_space<hbm>> -> memref<100000xf32, #tpu.memory_space<hbm>>
      %dma_start3A_128 = arith.constant 0 : i32
      %dma_start3A_129 = tpu.memref_slice %arg3[%select_n3A_109, %select_n3A_125, %dma_start3A_128] : memref<26x16x100000xf32, #tpu.memory_space<hbm>> -> memref<1x1x100000xf32, #tpu.memory_space<hbm>>
      %dma_start3A_130 = tpu.memref_squeeze %dma_start3A_129 : memref<1x1x100000xf32, #tpu.memory_space<hbm>> -> memref<100000xf32, #tpu.memory_space<hbm>>
      tpu.enqueue_dma source(%dma_start3A_130 : memref<100000xf32, #tpu.memory_space<hbm>>) target(%arg5 : memref<100000xf32, #tpu.memory_space<vmem>>) target_semaphore(%arg9 : memref<!tpu.dma_semaphore, #tpu.memory_space<semaphore_mem>>)
      %dma_wait3A_131 = arith.constant 0 : i32
      %dma_wait3A_132 = tpu.memref_slice %arg3[%select_n3A_109, %select_n3A_125, %dma_wait3A_131] : memref<26x16x100000xf32, #tpu.memory_space<hbm>> -> memref<1x1x100000xf32, #tpu.memory_space<hbm>>
      %dma_wait3A_133 = tpu.memref_squeeze %dma_wait3A_132 : memref<1x1x100000xf32, #tpu.memory_space<hbm>> -> memref<100000xf32, #tpu.memory_space<hbm>>
      %dma_wait3A_134 = arith.constant 0 : i32
      %dma_wait3A_135 = tpu.memref_slice %arg3[%select_n3A_109, %select_n3A_125, %dma_wait3A_134] : memref<26x16x100000xf32, #tpu.memory_space<hbm>> -> memref<1x1x100000xf32, #tpu.memory_space<hbm>>
      %dma_wait3A_136 = tpu.memref_squeeze %dma_wait3A_135 : memref<1x1x100000xf32, #tpu.memory_space<hbm>> -> memref<100000xf32, #tpu.memory_space<hbm>>
      tpu.wait_dma2 semaphore(%arg9 : memref<!tpu.dma_semaphore, #tpu.memory_space<semaphore_mem>>) src(%dma_wait3A_136 : memref<100000xf32, #tpu.memory_space<hbm>>) dst(%arg5 : memref<100000xf32, #tpu.memory_space<vmem>>)
      %not3A = arith.constant true
      %not3A_137 = arith.xori %while3A_84, %not3A : i1
      %convert_element_type3A_138 = arith.extui %not3A_137 : i1 to i32
      %cond3A_139 = arith.constant 0 : i32
      %cond3A_140 = arith.cmpi ne, %convert_element_type3A_138, %cond3A_139 : i32
      scf.if %cond3A_140 {
        %dma_wait3A_198 = arith.constant 0 : i32
        %dma_wait3A_199 = arith.constant 0 : i32
        %dma_wait3A_200 = arith.constant 0 : i32
        %dma_wait3A_201 = tpu.memref_slice %arg4[%dma_wait3A_198, %dma_wait3A_199, %dma_wait3A_200] : memref<26x16x16384xf32, #tpu.memory_space<hbm>> -> memref<1x1x4096xf32, #tpu.memory_space<hbm>>
        %dma_wait3A_202 = tpu.memref_squeeze %dma_wait3A_201 : memref<1x1x4096xf32, #tpu.memory_space<hbm>> -> memref<4096xf32, #tpu.memory_space<hbm>>
        %dma_wait3A_203 = arith.constant 0 : i32
        %dma_wait3A_204 = tpu.memref_slice %arg4[%dma_wait3A_198, %dma_wait3A_199, %dma_wait3A_203] : memref<26x16x16384xf32, #tpu.memory_space<hbm>> -> memref<1x1x4096xf32, #tpu.memory_space<hbm>>
        %dma_wait3A_205 = tpu.memref_squeeze %dma_wait3A_204 : memref<1x1x4096xf32, #tpu.memory_space<hbm>> -> memref<4096xf32, #tpu.memory_space<hbm>>
        tpu.wait_dma2 semaphore(%arg11 : memref<!tpu.dma_semaphore, #tpu.memory_space<semaphore_mem>>) src(%arg7 : memref<4096xf32, #tpu.memory_space<vmem>>) dst(%dma_wait3A_205 : memref<4096xf32, #tpu.memory_space<hbm>>)
      } else {
      }
      %parallel_loop3A = arith.constant 0 : i32
      %parallel_loop3A_141 = arith.constant 256 : i32
      %parallel_loop3A_142 = arith.constant 1 : i32
      scf.for %parallel_loop3A_198 = %parallel_loop3A to %parallel_loop3A_141 step %parallel_loop3A_142  : i32 {
        %parallel_loop3A_199 = arith.constant 16 : i32
        %parallel_loop3A_200 = arith.muli %parallel_loop3A_198, %parallel_loop3A_199 : i32
        %parallel_loop3A_201 = arith.constant 0 : i32
        %parallel_loop3A_202 = arith.addi %parallel_loop3A_201, %parallel_loop3A_200 : i32
        %parallel_loop3A_203 = arith.index_cast %parallel_loop3A_202 : i32 to index
        %parallel_loop3A_204 = tpu.vector_load %arg6[%parallel_loop3A_203] {strides = array<i32>} : memref<16384xi32, #tpu.memory_space<vmem>>, vector<16xi32>,
        %parallel_loop3A_205 = tpu.vector_load_idx %arg5[%parallel_loop3A_204] : memref<100000xf32, #tpu.memory_space<vmem>>[vector<16xi32>], vector<16xf32>,
        %parallel_loop3A_206 = arith.constant 16 : i32
        %parallel_loop3A_207 = arith.muli %parallel_loop3A_198, %parallel_loop3A_206 : i32
        %parallel_loop3A_208 = arith.index_cast %parallel_loop3A_207 : i32 to index
        %parallel_loop3A_209 = tpu.vector_load %arg7[%parallel_loop3A_208] {strides = array<i32>} : memref<4096xf32, #tpu.memory_space<vmem>>, vector<16xf32>,
        tpu.vector_store %arg7[%parallel_loop3A_208], %parallel_loop3A_205 {strides = array<i32>} : memref<4096xf32, #tpu.memory_space<vmem>>, vector<16xf32>,
      } {sc.loop_unroll_factor = 8 : i64, sc.parallel_access}
      %dma_start3A_143 = arith.constant 0 : i32
      %dma_start3A_144 = tpu.memref_slice %arg4[%select_n3A_109, %select_n3A_125, %dma_start3A_143] : memref<26x16x16384xf32, #tpu.memory_space<hbm>> -> memref<1x1x4096xf32, #tpu.memory_space<hbm>>
      %dma_start3A_145 = tpu.memref_squeeze %dma_start3A_144 : memref<1x1x4096xf32, #tpu.memory_space<hbm>> -> memref<4096xf32, #tpu.memory_space<hbm>>
      %dma_start3A_146 = arith.constant 0 : i32
      %dma_start3A_147 = tpu.memref_slice %arg4[%select_n3A_109, %select_n3A_125, %dma_start3A_146] : memref<26x16x16384xf32, #tpu.memory_space<hbm>> -> memref<1x1x4096xf32, #tpu.memory_space<hbm>>
      %dma_start3A_148 = tpu.memref_squeeze %dma_start3A_147 : memref<1x1x4096xf32, #tpu.memory_space<hbm>> -> memref<4096xf32, #tpu.memory_space<hbm>>
      tpu.enqueue_dma source(%arg7 : memref<4096xf32, #tpu.memory_space<vmem>>) target(%dma_start3A_148 : memref<4096xf32, #tpu.memory_space<hbm>>) target_semaphore(%arg11 : memref<!tpu.dma_semaphore, #tpu.memory_space<semaphore_mem>>)
      %not3A_149 = arith.constant true
      %not3A_150 = arith.xori %while3A_84, %not3A_149 : i1
      %convert_element_type3A_151 = arith.extui %not3A_150 : i1 to i32
      %cond3A_152 = arith.constant 0 : i32
      %cond3A_153 = arith.cmpi ne, %convert_element_type3A_151, %cond3A_152 : i32
      scf.if %cond3A_153 {
        %dma_wait3A_198 = arith.constant 0 : i32
        %dma_wait3A_199 = arith.constant 0 : i32
        %dma_wait3A_200 = arith.constant 0 : i32
        %dma_wait3A_201 = tpu.memref_slice %arg4[%dma_wait3A_198, %dma_wait3A_199, %dma_wait3A_200] : memref<26x16x16384xf32, #tpu.memory_space<hbm>> -> memref<1x1x4096xf32, #tpu.memory_space<hbm>>
        %dma_wait3A_202 = tpu.memref_squeeze %dma_wait3A_201 : memref<1x1x4096xf32, #tpu.memory_space<hbm>> -> memref<4096xf32, #tpu.memory_space<hbm>>
        %dma_wait3A_203 = arith.constant 0 : i32
        %dma_wait3A_204 = tpu.memref_slice %arg4[%dma_wait3A_198, %dma_wait3A_199, %dma_wait3A_203] : memref<26x16x16384xf32, #tpu.memory_space<hbm>> -> memref<1x1x4096xf32, #tpu.memory_space<hbm>>
        %dma_wait3A_205 = tpu.memref_squeeze %dma_wait3A_204 : memref<1x1x4096xf32, #tpu.memory_space<hbm>> -> memref<4096xf32, #tpu.memory_space<hbm>>
        tpu.wait_dma2 semaphore(%arg12 : memref<!tpu.dma_semaphore, #tpu.memory_space<semaphore_mem>>) src(%arg8 : memref<4096xf32, #tpu.memory_space<vmem>>) dst(%dma_wait3A_205 : memref<4096xf32, #tpu.memory_space<hbm>>)
      } else {
      }
      %parallel_loop3A_154 = arith.constant 0 : i32
      %parallel_loop3A_155 = arith.constant 256 : i32
      %parallel_loop3A_156 = arith.constant 1 : i32
      scf.for %parallel_loop3A_198 = %parallel_loop3A_154 to %parallel_loop3A_155 step %parallel_loop3A_156  : i32 {
        %parallel_loop3A_199 = arith.constant 16 : i32
        %parallel_loop3A_200 = arith.muli %parallel_loop3A_198, %parallel_loop3A_199 : i32
        %parallel_loop3A_201 = arith.constant 4096 : i32
        %parallel_loop3A_202 = arith.addi %parallel_loop3A_201, %parallel_loop3A_200 : i32
        %parallel_loop3A_203 = arith.index_cast %parallel_loop3A_202 : i32 to index
        %parallel_loop3A_204 = tpu.vector_load %arg6[%parallel_loop3A_203] {strides = array<i32>} : memref<16384xi32, #tpu.memory_space<vmem>>, vector<16xi32>,
        %parallel_loop3A_205 = tpu.vector_load_idx %arg5[%parallel_loop3A_204] : memref<100000xf32, #tpu.memory_space<vmem>>[vector<16xi32>], vector<16xf32>,
        %parallel_loop3A_206 = arith.constant 16 : i32
        %parallel_loop3A_207 = arith.muli %parallel_loop3A_198, %parallel_loop3A_206 : i32
        %parallel_loop3A_208 = arith.index_cast %parallel_loop3A_207 : i32 to index
        %parallel_loop3A_209 = tpu.vector_load %arg8[%parallel_loop3A_208] {strides = array<i32>} : memref<4096xf32, #tpu.memory_space<vmem>>, vector<16xf32>,
        tpu.vector_store %arg8[%parallel_loop3A_208], %parallel_loop3A_205 {strides = array<i32>} : memref<4096xf32, #tpu.memory_space<vmem>>, vector<16xf32>,
      } {sc.loop_unroll_factor = 8 : i64, sc.parallel_access}
      %dma_start3A_157 = arith.constant 4096 : i32
      %dma_start3A_158 = tpu.memref_slice %arg4[%select_n3A_109, %select_n3A_125, %dma_start3A_157] : memref<26x16x16384xf32, #tpu.memory_space<hbm>> -> memref<1x1x4096xf32, #tpu.memory_space<hbm>>
      %dma_start3A_159 = tpu.memref_squeeze %dma_start3A_158 : memref<1x1x4096xf32, #tpu.memory_space<hbm>> -> memref<4096xf32, #tpu.memory_space<hbm>>
      %dma_start3A_160 = arith.constant 4096 : i32
      %dma_start3A_161 = tpu.memref_slice %arg4[%select_n3A_109, %select_n3A_125, %dma_start3A_160] : memref<26x16x16384xf32, #tpu.memory_space<hbm>> -> memref<1x1x4096xf32, #tpu.memory_space<hbm>>
      %dma_start3A_162 = tpu.memref_squeeze %dma_start3A_161 : memref<1x1x4096xf32, #tpu.memory_space<hbm>> -> memref<4096xf32, #tpu.memory_space<hbm>>
      tpu.enqueue_dma source(%arg8 : memref<4096xf32, #tpu.memory_space<vmem>>) target(%dma_start3A_162 : memref<4096xf32, #tpu.memory_space<hbm>>) target_semaphore(%arg12 : memref<!tpu.dma_semaphore, #tpu.memory_space<semaphore_mem>>)
      %dma_wait3A_163 = arith.constant 0 : i32
      %dma_wait3A_164 = arith.constant 0 : i32
      %dma_wait3A_165 = arith.constant 0 : i32
      %dma_wait3A_166 = tpu.memref_slice %arg4[%dma_wait3A_163, %dma_wait3A_164, %dma_wait3A_165] : memref<26x16x16384xf32, #tpu.memory_space<hbm>> -> memref<1x1x4096xf32, #tpu.memory_space<hbm>>
      %dma_wait3A_167 = tpu.memref_squeeze %dma_wait3A_166 : memref<1x1x4096xf32, #tpu.memory_space<hbm>> -> memref<4096xf32, #tpu.memory_space<hbm>>
      %dma_wait3A_168 = arith.constant 0 : i32
      %dma_wait3A_169 = tpu.memref_slice %arg4[%dma_wait3A_163, %dma_wait3A_164, %dma_wait3A_168] : memref<26x16x16384xf32, #tpu.memory_space<hbm>> -> memref<1x1x4096xf32, #tpu.memory_space<hbm>>
      %dma_wait3A_170 = tpu.memref_squeeze %dma_wait3A_169 : memref<1x1x4096xf32, #tpu.memory_space<hbm>> -> memref<4096xf32, #tpu.memory_space<hbm>>
      tpu.wait_dma2 semaphore(%arg11 : memref<!tpu.dma_semaphore, #tpu.memory_space<semaphore_mem>>) src(%arg7 : memref<4096xf32, #tpu.memory_space<vmem>>) dst(%dma_wait3A_170 : memref<4096xf32, #tpu.memory_space<hbm>>)
      %parallel_loop3A_171 = arith.constant 0 : i32
      %parallel_loop3A_172 = arith.constant 256 : i32
      %parallel_loop3A_173 = arith.constant 1 : i32
      scf.for %parallel_loop3A_198 = %parallel_loop3A_171 to %parallel_loop3A_172 step %parallel_loop3A_173  : i32 {
        %parallel_loop3A_199 = arith.constant 16 : i32
        %parallel_loop3A_200 = arith.muli %parallel_loop3A_198, %parallel_loop3A_199 : i32
        %parallel_loop3A_201 = arith.constant 8192 : i32
        %parallel_loop3A_202 = arith.addi %parallel_loop3A_201, %parallel_loop3A_200 : i32
        %parallel_loop3A_203 = arith.index_cast %parallel_loop3A_202 : i32 to index
        %parallel_loop3A_204 = tpu.vector_load %arg6[%parallel_loop3A_203] {strides = array<i32>} : memref<16384xi32, #tpu.memory_space<vmem>>, vector<16xi32>,
        %parallel_loop3A_205 = tpu.vector_load_idx %arg5[%parallel_loop3A_204] : memref<100000xf32, #tpu.memory_space<vmem>>[vector<16xi32>], vector<16xf32>,
        %parallel_loop3A_206 = arith.constant 16 : i32
        %parallel_loop3A_207 = arith.muli %parallel_loop3A_198, %parallel_loop3A_206 : i32
        %parallel_loop3A_208 = arith.index_cast %parallel_loop3A_207 : i32 to index
        %parallel_loop3A_209 = tpu.vector_load %arg7[%parallel_loop3A_208] {strides = array<i32>} : memref<4096xf32, #tpu.memory_space<vmem>>, vector<16xf32>,
        tpu.vector_store %arg7[%parallel_loop3A_208], %parallel_loop3A_205 {strides = array<i32>} : memref<4096xf32, #tpu.memory_space<vmem>>, vector<16xf32>,
      } {sc.loop_unroll_factor = 8 : i64, sc.parallel_access}
      %dma_start3A_174 = arith.constant 8192 : i32
      %dma_start3A_175 = tpu.memref_slice %arg4[%select_n3A_109, %select_n3A_125, %dma_start3A_174] : memref<26x16x16384xf32, #tpu.memory_space<hbm>> -> memref<1x1x4096xf32, #tpu.memory_space<hbm>>
      %dma_start3A_176 = tpu.memref_squeeze %dma_start3A_175 : memref<1x1x4096xf32, #tpu.memory_space<hbm>> -> memref<4096xf32, #tpu.memory_space<hbm>>
      %dma_start3A_177 = arith.constant 8192 : i32
      %dma_start3A_178 = tpu.memref_slice %arg4[%select_n3A_109, %select_n3A_125, %dma_start3A_177] : memref<26x16x16384xf32, #tpu.memory_space<hbm>> -> memref<1x1x4096xf32, #tpu.memory_space<hbm>>
      %dma_start3A_179 = tpu.memref_squeeze %dma_start3A_178 : memref<1x1x4096xf32, #tpu.memory_space<hbm>> -> memref<4096xf32, #tpu.memory_space<hbm>>
      tpu.enqueue_dma source(%arg7 : memref<4096xf32, #tpu.memory_space<vmem>>) target(%dma_start3A_179 : memref<4096xf32, #tpu.memory_space<hbm>>) target_semaphore(%arg11 : memref<!tpu.dma_semaphore, #tpu.memory_space<semaphore_mem>>)
      %dma_wait3A_180 = arith.constant 0 : i32
      %dma_wait3A_181 = arith.constant 0 : i32
      %dma_wait3A_182 = arith.constant 0 : i32
      %dma_wait3A_183 = tpu.memref_slice %arg4[%dma_wait3A_180, %dma_wait3A_181, %dma_wait3A_182] : memref<26x16x16384xf32, #tpu.memory_space<hbm>> -> memref<1x1x4096xf32, #tpu.memory_space<hbm>>
      %dma_wait3A_184 = tpu.memref_squeeze %dma_wait3A_183 : memref<1x1x4096xf32, #tpu.memory_space<hbm>> -> memref<4096xf32, #tpu.memory_space<hbm>>
      %dma_wait3A_185 = arith.constant 0 : i32
      %dma_wait3A_186 = tpu.memref_slice %arg4[%dma_wait3A_180, %dma_wait3A_181, %dma_wait3A_185] : memref<26x16x16384xf32, #tpu.memory_space<hbm>> -> memref<1x1x4096xf32, #tpu.memory_space<hbm>>
      %dma_wait3A_187 = tpu.memref_squeeze %dma_wait3A_186 : memref<1x1x4096xf32, #tpu.memory_space<hbm>> -> memref<4096xf32, #tpu.memory_space<hbm>>
      tpu.wait_dma2 semaphore(%arg12 : memref<!tpu.dma_semaphore, #tpu.memory_space<semaphore_mem>>) src(%arg8 : memref<4096xf32, #tpu.memory_space<vmem>>) dst(%dma_wait3A_187 : memref<4096xf32, #tpu.memory_space<hbm>>)
      %parallel_loop3A_188 = arith.constant 0 : i32
      %parallel_loop3A_189 = arith.constant 256 : i32
      %parallel_loop3A_190 = arith.constant 1 : i32
      scf.for %parallel_loop3A_198 = %parallel_loop3A_188 to %parallel_loop3A_189 step %parallel_loop3A_190  : i32 {
        %parallel_loop3A_199 = arith.constant 16 : i32
        %parallel_loop3A_200 = arith.muli %parallel_loop3A_198, %parallel_loop3A_199 : i32
        %parallel_loop3A_201 = arith.constant 12288 : i32
        %parallel_loop3A_202 = arith.addi %parallel_loop3A_201, %parallel_loop3A_200 : i32
        %parallel_loop3A_203 = arith.index_cast %parallel_loop3A_202 : i32 to index
        %parallel_loop3A_204 = tpu.vector_load %arg6[%parallel_loop3A_203] {strides = array<i32>} : memref<16384xi32, #tpu.memory_space<vmem>>, vector<16xi32>,
        %parallel_loop3A_205 = tpu.vector_load_idx %arg5[%parallel_loop3A_204] : memref<100000xf32, #tpu.memory_space<vmem>>[vector<16xi32>], vector<16xf32>,
        %parallel_loop3A_206 = arith.constant 16 : i32
        %parallel_loop3A_207 = arith.muli %parallel_loop3A_198, %parallel_loop3A_206 : i32
        %parallel_loop3A_208 = arith.index_cast %parallel_loop3A_207 : i32 to index
        %parallel_loop3A_209 = tpu.vector_load %arg8[%parallel_loop3A_208] {strides = array<i32>} : memref<4096xf32, #tpu.memory_space<vmem>>, vector<16xf32>,
        tpu.vector_store %arg8[%parallel_loop3A_208], %parallel_loop3A_205 {strides = array<i32>} : memref<4096xf32, #tpu.memory_space<vmem>>, vector<16xf32>,
      } {sc.loop_unroll_factor = 8 : i64, sc.parallel_access}
      %dma_start3A_191 = arith.constant 12288 : i32
      %dma_start3A_192 = tpu.memref_slice %arg4[%select_n3A_109, %select_n3A_125, %dma_start3A_191] : memref<26x16x16384xf32, #tpu.memory_space<hbm>> -> memref<1x1x4096xf32, #tpu.memory_space<hbm>>
      %dma_start3A_193 = tpu.memref_squeeze %dma_start3A_192 : memref<1x1x4096xf32, #tpu.memory_space<hbm>> -> memref<4096xf32, #tpu.memory_space<hbm>>
      %dma_start3A_194 = arith.constant 12288 : i32
      %dma_start3A_195 = tpu.memref_slice %arg4[%select_n3A_109, %select_n3A_125, %dma_start3A_194] : memref<26x16x16384xf32, #tpu.memory_space<hbm>> -> memref<1x1x4096xf32, #tpu.memory_space<hbm>>
      %dma_start3A_196 = tpu.memref_squeeze %dma_start3A_195 : memref<1x1x4096xf32, #tpu.memory_space<hbm>> -> memref<4096xf32, #tpu.memory_space<hbm>>
      tpu.enqueue_dma source(%arg8 : memref<4096xf32, #tpu.memory_space<vmem>>) target(%dma_start3A_196 : memref<4096xf32, #tpu.memory_space<hbm>>) target_semaphore(%arg12 : memref<!tpu.dma_semaphore, #tpu.memory_space<semaphore_mem>>)
      %while3A_197 = arith.constant false
      scf.yield %while3A_197 : i1
    }
    %lt3A_64 = arith.constant 13 : i32
    %lt3A_65 = arith.cmpi slt, %min3A_24, %lt3A_64 : i32
    %convert_element_type3A_66 = arith.extui %lt3A_65 : i1 to i32
    %cond3A = arith.constant 0 : i32
    %cond3A_67 = arith.cmpi ne, %convert_element_type3A_66, %cond3A : i32
    scf.if %cond3A_67 {
      %add3A_83 = arith.constant 1 : i32
      %add3A_84 = arith.addi %select_n3A, %add3A_83 : i32
      "tpu.region"() ({
        %run_scoped3A = tpu.sem_alloc : memref<!tpu.dma_semaphore, #tpu.memory_space<semaphore_mem>>
        %dma_start3A = arith.constant 0 : i32
        %dma_start3A_96 = tpu.memref_slice %arg2[%add3A_84, %dma_start3A] : memref<26x16384xi32, #tpu.memory_space<hbm>> -> memref<1x16384xi32, #tpu.memory_space<hbm>>
        %dma_start3A_97 = tpu.memref_squeeze %dma_start3A_96 : memref<1x16384xi32, #tpu.memory_space<hbm>> -> memref<16384xi32, #tpu.memory_space<hbm>>
        %dma_start3A_98 = arith.constant 0 : i32
        %dma_start3A_99 = tpu.memref_slice %arg2[%add3A_84, %dma_start3A_98] : memref<26x16384xi32, #tpu.memory_space<hbm>> -> memref<1x16384xi32, #tpu.memory_space<hbm>>
        %dma_start3A_100 = tpu.memref_squeeze %dma_start3A_99 : memref<1x16384xi32, #tpu.memory_space<hbm>> -> memref<16384xi32, #tpu.memory_space<hbm>>
        tpu.enqueue_dma source(%dma_start3A_100 : memref<16384xi32, #tpu.memory_space<hbm>>) target(%arg6 : memref<16384xi32, #tpu.memory_space<vmem>>) target_semaphore(%run_scoped3A : memref<!tpu.dma_semaphore, #tpu.memory_space<semaphore_mem>>)
        %dma_wait3A_101 = arith.constant 0 : i32
        %dma_wait3A_102 = tpu.memref_slice %arg2[%add3A_84, %dma_wait3A_101] : memref<26x16384xi32, #tpu.memory_space<hbm>> -> memref<1x16384xi32, #tpu.memory_space<hbm>>
        %dma_wait3A_103 = tpu.memref_squeeze %dma_wait3A_102 : memref<1x16384xi32, #tpu.memory_space<hbm>> -> memref<16384xi32, #tpu.memory_space<hbm>>
        %dma_wait3A_104 = arith.constant 0 : i32
        %dma_wait3A_105 = tpu.memref_slice %arg2[%add3A_84, %dma_wait3A_104] : memref<26x16384xi32, #tpu.memory_space<hbm>> -> memref<1x16384xi32, #tpu.memory_space<hbm>>
        %dma_wait3A_106 = tpu.memref_squeeze %dma_wait3A_105 : memref<1x16384xi32, #tpu.memory_space<hbm>> -> memref<16384xi32, #tpu.memory_space<hbm>>
        tpu.wait_dma2 semaphore(%run_scoped3A : memref<!tpu.dma_semaphore, #tpu.memory_space<semaphore_mem>>) src(%dma_wait3A_106 : memref<16384xi32, #tpu.memory_space<hbm>>) dst(%arg6 : memref<16384xi32, #tpu.memory_space<vmem>>)
        tpu.yield
      }) : () -> ()
      %while3A_85 = arith.constant 13 : i32
      %while3A_86 = arith.subi %while3A_85, %min3A_24 : i32
      %while3A_87 = arith.addi %min3A_24, %while3A_86 : i32
      %while3A_88 = arith.constant 1 : i32
      %while3A_89 = arith.divsi %while3A_86, %while3A_88 : i32
      %while3A_90 = arith.muli %while3A_89, %while3A_88 : i32
      %while3A_91 = arith.addi %min3A_24, %while3A_90 : i32
      %while3A_92 = arith.constant 1 : i32
      %while3A_93 = scf.for %while3A_96 = %min3A_24 to %while3A_91 step %while3A_92 iter_args(%while3A_97 = %while3A_63) -> (i1)  : i32 {
        %add3A_98 = arith.addi %mul3A_2, %while3A_96 : i32
        %jit3A_99 = arith.constant 16 : i32
        %div3A_100 = arith.divsi %add3A_98, %jit3A_99 : i32
        %sign3A_101 = arith.constant 0 : i32
        %sign3A_102 = arith.cmpi sgt, %add3A_98, %sign3A_101 : i32
        %sign3A_103 = arith.extui %sign3A_102 : i1 to i32
        %sign3A_104 = arith.constant 0 : i32
        %sign3A_105 = arith.cmpi slt, %add3A_98, %sign3A_104 : i32
        %sign3A_106 = arith.extui %sign3A_105 : i1 to i32
        %sign3A_107 = arith.subi %sign3A_103, %sign3A_106 : i32
        %sign3A_108 = arith.constant 0 : i32
        %sign3A_109 = arith.cmpi sgt, %jit3A_99, %sign3A_108 : i32
        %sign3A_110 = arith.extui %sign3A_109 : i1 to i32
        %sign3A_111 = arith.constant 0 : i32
        %sign3A_112 = arith.cmpi slt, %jit3A_99, %sign3A_111 : i32
        %sign3A_113 = arith.extui %sign3A_112 : i1 to i32
        %sign3A_114 = arith.subi %sign3A_110, %sign3A_113 : i32
        %ne3A_115 = arith.cmpi ne, %sign3A_107, %sign3A_114 : i32
        %rem3A_116 = arith.remsi %add3A_98, %jit3A_99 : i32
        %ne3A_117 = arith.constant 0 : i32
        %ne3A_118 = arith.cmpi ne, %rem3A_116, %ne3A_117 : i32
        %and3A_119 = arith.andi %ne3A_115, %ne3A_118 : i1
        %sub3A_120 = arith.constant 1 : i32
        %sub3A_121 = arith.subi %div3A_100, %sub3A_120 : i32
        %select_n3A_122 = arith.select %and3A_119, %sub3A_121, %div3A_100 : i32
        %jit3A_123 = arith.constant 16 : i32
        %eq3A_124 = arith.constant 0 : i32
        %eq3A_125 = arith.cmpi eq, %jit3A_123, %eq3A_124 : i32
        %jit3A_126 = arith.constant 1 : i32
        %select_n3A_127 = arith.select %eq3A_125, %jit3A_126, %jit3A_123 : i32
        %rem3A_128 = arith.remsi %add3A_98, %select_n3A_127 : i32
        %ne3A_129 = arith.constant 0 : i32
        %ne3A_130 = arith.cmpi ne, %rem3A_128, %ne3A_129 : i32
        %lt3A_131 = arith.constant 0 : i32
        %lt3A_132 = arith.cmpi slt, %rem3A_128, %lt3A_131 : i32
        %lt3A_133 = arith.constant 0 : i32
        %lt3A_134 = arith.cmpi slt, %select_n3A_127, %lt3A_133 : i32
        %ne3A_135 = arith.xori %lt3A_132, %lt3A_134 : i1
        %and3A_136 = arith.andi %ne3A_135, %ne3A_130 : i1
        %add3A_137 = arith.addi %rem3A_128, %select_n3A_127 : i32
        %select_n3A_138 = arith.select %and3A_136, %add3A_137, %rem3A_128 : i32
        %dma_start3A = arith.constant 0 : i32
        %dma_start3A_139 = tpu.memref_slice %arg3[%select_n3A_122, %select_n3A_138, %dma_start3A] : memref<26x16x100000xf32, #tpu.memory_space<hbm>> -> memref<1x1x100000xf32, #tpu.memory_space<hbm>>
        %dma_start3A_140 = tpu.memref_squeeze %dma_start3A_139 : memref<1x1x100000xf32, #tpu.memory_space<hbm>> -> memref<100000xf32, #tpu.memory_space<hbm>>
        %dma_start3A_141 = arith.constant 0 : i32
        %dma_start3A_142 = tpu.memref_slice %arg3[%select_n3A_122, %select_n3A_138, %dma_start3A_141] : memref<26x16x100000xf32, #tpu.memory_space<hbm>> -> memref<1x1x100000xf32, #tpu.memory_space<hbm>>
        %dma_start3A_143 = tpu.memref_squeeze %dma_start3A_142 : memref<1x1x100000xf32, #tpu.memory_space<hbm>> -> memref<100000xf32, #tpu.memory_space<hbm>>
        tpu.enqueue_dma source(%dma_start3A_143 : memref<100000xf32, #tpu.memory_space<hbm>>) target(%arg5 : memref<100000xf32, #tpu.memory_space<vmem>>) target_semaphore(%arg9 : memref<!tpu.dma_semaphore, #tpu.memory_space<semaphore_mem>>)
        %dma_wait3A_144 = arith.constant 0 : i32
        %dma_wait3A_145 = tpu.memref_slice %arg3[%select_n3A_122, %select_n3A_138, %dma_wait3A_144] : memref<26x16x100000xf32, #tpu.memory_space<hbm>> -> memref<1x1x100000xf32, #tpu.memory_space<hbm>>
        %dma_wait3A_146 = tpu.memref_squeeze %dma_wait3A_145 : memref<1x1x100000xf32, #tpu.memory_space<hbm>> -> memref<100000xf32, #tpu.memory_space<hbm>>
        %dma_wait3A_147 = arith.constant 0 : i32
        %dma_wait3A_148 = tpu.memref_slice %arg3[%select_n3A_122, %select_n3A_138, %dma_wait3A_147] : memref<26x16x100000xf32, #tpu.memory_space<hbm>> -> memref<1x1x100000xf32, #tpu.memory_space<hbm>>
        %dma_wait3A_149 = tpu.memref_squeeze %dma_wait3A_148 : memref<1x1x100000xf32, #tpu.memory_space<hbm>> -> memref<100000xf32, #tpu.memory_space<hbm>>
        tpu.wait_dma2 semaphore(%arg9 : memref<!tpu.dma_semaphore, #tpu.memory_space<semaphore_mem>>) src(%dma_wait3A_149 : memref<100000xf32, #tpu.memory_space<hbm>>) dst(%arg5 : memref<100000xf32, #tpu.memory_space<vmem>>)
        %not3A = arith.constant true
        %not3A_150 = arith.xori %while3A_97, %not3A : i1
        %convert_element_type3A_151 = arith.extui %not3A_150 : i1 to i32
        %cond3A_152 = arith.constant 0 : i32
        %cond3A_153 = arith.cmpi ne, %convert_element_type3A_151, %cond3A_152 : i32
        scf.if %cond3A_153 {
          %dma_wait3A_211 = arith.constant 0 : i32
          %dma_wait3A_212 = arith.constant 0 : i32
          %dma_wait3A_213 = arith.constant 0 : i32
          %dma_wait3A_214 = tpu.memref_slice %arg4[%dma_wait3A_211, %dma_wait3A_212, %dma_wait3A_213] : memref<26x16x16384xf32, #tpu.memory_space<hbm>> -> memref<1x1x4096xf32, #tpu.memory_space<hbm>>
          %dma_wait3A_215 = tpu.memref_squeeze %dma_wait3A_214 : memref<1x1x4096xf32, #tpu.memory_space<hbm>> -> memref<4096xf32, #tpu.memory_space<hbm>>
          %dma_wait3A_216 = arith.constant 0 : i32
          %dma_wait3A_217 = tpu.memref_slice %arg4[%dma_wait3A_211, %dma_wait3A_212, %dma_wait3A_216] : memref<26x16x16384xf32, #tpu.memory_space<hbm>> -> memref<1x1x4096xf32, #tpu.memory_space<hbm>>
          %dma_wait3A_218 = tpu.memref_squeeze %dma_wait3A_217 : memref<1x1x4096xf32, #tpu.memory_space<hbm>> -> memref<4096xf32, #tpu.memory_space<hbm>>
          tpu.wait_dma2 semaphore(%arg11 : memref<!tpu.dma_semaphore, #tpu.memory_space<semaphore_mem>>) src(%arg7 : memref<4096xf32, #tpu.memory_space<vmem>>) dst(%dma_wait3A_218 : memref<4096xf32, #tpu.memory_space<hbm>>)
        } else {
        }
        %parallel_loop3A = arith.constant 0 : i32
        %parallel_loop3A_154 = arith.constant 256 : i32
        %parallel_loop3A_155 = arith.constant 1 : i32
        scf.for %parallel_loop3A_211 = %parallel_loop3A to %parallel_loop3A_154 step %parallel_loop3A_155  : i32 {
          %parallel_loop3A_212 = arith.constant 16 : i32
          %parallel_loop3A_213 = arith.muli %parallel_loop3A_211, %parallel_loop3A_212 : i32
          %parallel_loop3A_214 = arith.constant 0 : i32
          %parallel_loop3A_215 = arith.addi %parallel_loop3A_214, %parallel_loop3A_213 : i32
          %parallel_loop3A_216 = arith.index_cast %parallel_loop3A_215 : i32 to index
          %parallel_loop3A_217 = tpu.vector_load %arg6[%parallel_loop3A_216] {strides = array<i32>} : memref<16384xi32, #tpu.memory_space<vmem>>, vector<16xi32>,
          %parallel_loop3A_218 = tpu.vector_load_idx %arg5[%parallel_loop3A_217] : memref<100000xf32, #tpu.memory_space<vmem>>[vector<16xi32>], vector<16xf32>,
          %parallel_loop3A_219 = arith.constant 16 : i32
          %parallel_loop3A_220 = arith.muli %parallel_loop3A_211, %parallel_loop3A_219 : i32
          %parallel_loop3A_221 = arith.index_cast %parallel_loop3A_220 : i32 to index
          %parallel_loop3A_222 = tpu.vector_load %arg7[%parallel_loop3A_221] {strides = array<i32>} : memref<4096xf32, #tpu.memory_space<vmem>>, vector<16xf32>,
          tpu.vector_store %arg7[%parallel_loop3A_221], %parallel_loop3A_218 {strides = array<i32>} : memref<4096xf32, #tpu.memory_space<vmem>>, vector<16xf32>,
        } {sc.loop_unroll_factor = 8 : i64, sc.parallel_access}
        %dma_start3A_156 = arith.constant 0 : i32
        %dma_start3A_157 = tpu.memref_slice %arg4[%select_n3A_122, %select_n3A_138, %dma_start3A_156] : memref<26x16x16384xf32, #tpu.memory_space<hbm>> -> memref<1x1x4096xf32, #tpu.memory_space<hbm>>
        %dma_start3A_158 = tpu.memref_squeeze %dma_start3A_157 : memref<1x1x4096xf32, #tpu.memory_space<hbm>> -> memref<4096xf32, #tpu.memory_space<hbm>>
        %dma_start3A_159 = arith.constant 0 : i32
        %dma_start3A_160 = tpu.memref_slice %arg4[%select_n3A_122, %select_n3A_138, %dma_start3A_159] : memref<26x16x16384xf32, #tpu.memory_space<hbm>> -> memref<1x1x4096xf32, #tpu.memory_space<hbm>>
        %dma_start3A_161 = tpu.memref_squeeze %dma_start3A_160 : memref<1x1x4096xf32, #tpu.memory_space<hbm>> -> memref<4096xf32, #tpu.memory_space<hbm>>
        tpu.enqueue_dma source(%arg7 : memref<4096xf32, #tpu.memory_space<vmem>>) target(%dma_start3A_161 : memref<4096xf32, #tpu.memory_space<hbm>>) target_semaphore(%arg11 : memref<!tpu.dma_semaphore, #tpu.memory_space<semaphore_mem>>)
        %not3A_162 = arith.constant true
        %not3A_163 = arith.xori %while3A_97, %not3A_162 : i1
        %convert_element_type3A_164 = arith.extui %not3A_163 : i1 to i32
        %cond3A_165 = arith.constant 0 : i32
        %cond3A_166 = arith.cmpi ne, %convert_element_type3A_164, %cond3A_165 : i32
        scf.if %cond3A_166 {
          %dma_wait3A_211 = arith.constant 0 : i32
          %dma_wait3A_212 = arith.constant 0 : i32
          %dma_wait3A_213 = arith.constant 0 : i32
          %dma_wait3A_214 = tpu.memref_slice %arg4[%dma_wait3A_211, %dma_wait3A_212, %dma_wait3A_213] : memref<26x16x16384xf32, #tpu.memory_space<hbm>> -> memref<1x1x4096xf32, #tpu.memory_space<hbm>>
          %dma_wait3A_215 = tpu.memref_squeeze %dma_wait3A_214 : memref<1x1x4096xf32, #tpu.memory_space<hbm>> -> memref<4096xf32, #tpu.memory_space<hbm>>
          %dma_wait3A_216 = arith.constant 0 : i32
          %dma_wait3A_217 = tpu.memref_slice %arg4[%dma_wait3A_211, %dma_wait3A_212, %dma_wait3A_216] : memref<26x16x16384xf32, #tpu.memory_space<hbm>> -> memref<1x1x4096xf32, #tpu.memory_space<hbm>>
          %dma_wait3A_218 = tpu.memref_squeeze %dma_wait3A_217 : memref<1x1x4096xf32, #tpu.memory_space<hbm>> -> memref<4096xf32, #tpu.memory_space<hbm>>
          tpu.wait_dma2 semaphore(%arg12 : memref<!tpu.dma_semaphore, #tpu.memory_space<semaphore_mem>>) src(%arg8 : memref<4096xf32, #tpu.memory_space<vmem>>) dst(%dma_wait3A_218 : memref<4096xf32, #tpu.memory_space<hbm>>)
        } else {
        }
        %parallel_loop3A_167 = arith.constant 0 : i32
        %parallel_loop3A_168 = arith.constant 256 : i32
        %parallel_loop3A_169 = arith.constant 1 : i32
        scf.for %parallel_loop3A_211 = %parallel_loop3A_167 to %parallel_loop3A_168 step %parallel_loop3A_169  : i32 {
          %parallel_loop3A_212 = arith.constant 16 : i32
          %parallel_loop3A_213 = arith.muli %parallel_loop3A_211, %parallel_loop3A_212 : i32
          %parallel_loop3A_214 = arith.constant 4096 : i32
          %parallel_loop3A_215 = arith.addi %parallel_loop3A_214, %parallel_loop3A_213 : i32
          %parallel_loop3A_216 = arith.index_cast %parallel_loop3A_215 : i32 to index
          %parallel_loop3A_217 = tpu.vector_load %arg6[%parallel_loop3A_216] {strides = array<i32>} : memref<16384xi32, #tpu.memory_space<vmem>>, vector<16xi32>,
          %parallel_loop3A_218 = tpu.vector_load_idx %arg5[%parallel_loop3A_217] : memref<100000xf32, #tpu.memory_space<vmem>>[vector<16xi32>], vector<16xf32>,
          %parallel_loop3A_219 = arith.constant 16 : i32
          %parallel_loop3A_220 = arith.muli %parallel_loop3A_211, %parallel_loop3A_219 : i32
          %parallel_loop3A_221 = arith.index_cast %parallel_loop3A_220 : i32 to index
          %parallel_loop3A_222 = tpu.vector_load %arg8[%parallel_loop3A_221] {strides = array<i32>} : memref<4096xf32, #tpu.memory_space<vmem>>, vector<16xf32>,
          tpu.vector_store %arg8[%parallel_loop3A_221], %parallel_loop3A_218 {strides = array<i32>} : memref<4096xf32, #tpu.memory_space<vmem>>, vector<16xf32>,
        } {sc.loop_unroll_factor = 8 : i64, sc.parallel_access}
        %dma_start3A_170 = arith.constant 4096 : i32
        %dma_start3A_171 = tpu.memref_slice %arg4[%select_n3A_122, %select_n3A_138, %dma_start3A_170] : memref<26x16x16384xf32, #tpu.memory_space<hbm>> -> memref<1x1x4096xf32, #tpu.memory_space<hbm>>
        %dma_start3A_172 = tpu.memref_squeeze %dma_start3A_171 : memref<1x1x4096xf32, #tpu.memory_space<hbm>> -> memref<4096xf32, #tpu.memory_space<hbm>>
        %dma_start3A_173 = arith.constant 4096 : i32
        %dma_start3A_174 = tpu.memref_slice %arg4[%select_n3A_122, %select_n3A_138, %dma_start3A_173] : memref<26x16x16384xf32, #tpu.memory_space<hbm>> -> memref<1x1x4096xf32, #tpu.memory_space<hbm>>
        %dma_start3A_175 = tpu.memref_squeeze %dma_start3A_174 : memref<1x1x4096xf32, #tpu.memory_space<hbm>> -> memref<4096xf32, #tpu.memory_space<hbm>>
        tpu.enqueue_dma source(%arg8 : memref<4096xf32, #tpu.memory_space<vmem>>) target(%dma_start3A_175 : memref<4096xf32, #tpu.memory_space<hbm>>) target_semaphore(%arg12 : memref<!tpu.dma_semaphore, #tpu.memory_space<semaphore_mem>>)
        %dma_wait3A_176 = arith.constant 0 : i32
        %dma_wait3A_177 = arith.constant 0 : i32
        %dma_wait3A_178 = arith.constant 0 : i32
        %dma_wait3A_179 = tpu.memref_slice %arg4[%dma_wait3A_176, %dma_wait3A_177, %dma_wait3A_178] : memref<26x16x16384xf32, #tpu.memory_space<hbm>> -> memref<1x1x4096xf32, #tpu.memory_space<hbm>>
        %dma_wait3A_180 = tpu.memref_squeeze %dma_wait3A_179 : memref<1x1x4096xf32, #tpu.memory_space<hbm>> -> memref<4096xf32, #tpu.memory_space<hbm>>
        %dma_wait3A_181 = arith.constant 0 : i32
        %dma_wait3A_182 = tpu.memref_slice %arg4[%dma_wait3A_176, %dma_wait3A_177, %dma_wait3A_181] : memref<26x16x16384xf32, #tpu.memory_space<hbm>> -> memref<1x1x4096xf32, #tpu.memory_space<hbm>>
        %dma_wait3A_183 = tpu.memref_squeeze %dma_wait3A_182 : memref<1x1x4096xf32, #tpu.memory_space<hbm>> -> memref<4096xf32, #tpu.memory_space<hbm>>
        tpu.wait_dma2 semaphore(%arg11 : memref<!tpu.dma_semaphore, #tpu.memory_space<semaphore_mem>>) src(%arg7 : memref<4096xf32, #tpu.memory_space<vmem>>) dst(%dma_wait3A_183 : memref<4096xf32, #tpu.memory_space<hbm>>)
        %parallel_loop3A_184 = arith.constant 0 : i32
        %parallel_loop3A_185 = arith.constant 256 : i32
        %parallel_loop3A_186 = arith.constant 1 : i32
        scf.for %parallel_loop3A_211 = %parallel_loop3A_184 to %parallel_loop3A_185 step %parallel_loop3A_186  : i32 {
          %parallel_loop3A_212 = arith.constant 16 : i32
          %parallel_loop3A_213 = arith.muli %parallel_loop3A_211, %parallel_loop3A_212 : i32
          %parallel_loop3A_214 = arith.constant 8192 : i32
          %parallel_loop3A_215 = arith.addi %parallel_loop3A_214, %parallel_loop3A_213 : i32
          %parallel_loop3A_216 = arith.index_cast %parallel_loop3A_215 : i32 to index
          %parallel_loop3A_217 = tpu.vector_load %arg6[%parallel_loop3A_216] {strides = array<i32>} : memref<16384xi32, #tpu.memory_space<vmem>>, vector<16xi32>,
          %parallel_loop3A_218 = tpu.vector_load_idx %arg5[%parallel_loop3A_217] : memref<100000xf32, #tpu.memory_space<vmem>>[vector<16xi32>], vector<16xf32>,
          %parallel_loop3A_219 = arith.constant 16 : i32
          %parallel_loop3A_220 = arith.muli %parallel_loop3A_211, %parallel_loop3A_219 : i32
          %parallel_loop3A_221 = arith.index_cast %parallel_loop3A_220 : i32 to index
          %parallel_loop3A_222 = tpu.vector_load %arg7[%parallel_loop3A_221] {strides = array<i32>} : memref<4096xf32, #tpu.memory_space<vmem>>, vector<16xf32>,
          tpu.vector_store %arg7[%parallel_loop3A_221], %parallel_loop3A_218 {strides = array<i32>} : memref<4096xf32, #tpu.memory_space<vmem>>, vector<16xf32>,
        } {sc.loop_unroll_factor = 8 : i64, sc.parallel_access}
        %dma_start3A_187 = arith.constant 8192 : i32
        %dma_start3A_188 = tpu.memref_slice %arg4[%select_n3A_122, %select_n3A_138, %dma_start3A_187] : memref<26x16x16384xf32, #tpu.memory_space<hbm>> -> memref<1x1x4096xf32, #tpu.memory_space<hbm>>
        %dma_start3A_189 = tpu.memref_squeeze %dma_start3A_188 : memref<1x1x4096xf32, #tpu.memory_space<hbm>> -> memref<4096xf32, #tpu.memory_space<hbm>>
        %dma_start3A_190 = arith.constant 8192 : i32
        %dma_start3A_191 = tpu.memref_slice %arg4[%select_n3A_122, %select_n3A_138, %dma_start3A_190] : memref<26x16x16384xf32, #tpu.memory_space<hbm>> -> memref<1x1x4096xf32, #tpu.memory_space<hbm>>
        %dma_start3A_192 = tpu.memref_squeeze %dma_start3A_191 : memref<1x1x4096xf32, #tpu.memory_space<hbm>> -> memref<4096xf32, #tpu.memory_space<hbm>>
        tpu.enqueue_dma source(%arg7 : memref<4096xf32, #tpu.memory_space<vmem>>) target(%dma_start3A_192 : memref<4096xf32, #tpu.memory_space<hbm>>) target_semaphore(%arg11 : memref<!tpu.dma_semaphore, #tpu.memory_space<semaphore_mem>>)
        %dma_wait3A_193 = arith.constant 0 : i32
        %dma_wait3A_194 = arith.constant 0 : i32
        %dma_wait3A_195 = arith.constant 0 : i32
        %dma_wait3A_196 = tpu.memref_slice %arg4[%dma_wait3A_193, %dma_wait3A_194, %dma_wait3A_195] : memref<26x16x16384xf32, #tpu.memory_space<hbm>> -> memref<1x1x4096xf32, #tpu.memory_space<hbm>>
        %dma_wait3A_197 = tpu.memref_squeeze %dma_wait3A_196 : memref<1x1x4096xf32, #tpu.memory_space<hbm>> -> memref<4096xf32, #tpu.memory_space<hbm>>
        %dma_wait3A_198 = arith.constant 0 : i32
        %dma_wait3A_199 = tpu.memref_slice %arg4[%dma_wait3A_193, %dma_wait3A_194, %dma_wait3A_198] : memref<26x16x16384xf32, #tpu.memory_space<hbm>> -> memref<1x1x4096xf32, #tpu.memory_space<hbm>>
        %dma_wait3A_200 = tpu.memref_squeeze %dma_wait3A_199 : memref<1x1x4096xf32, #tpu.memory_space<hbm>> -> memref<4096xf32, #tpu.memory_space<hbm>>
        tpu.wait_dma2 semaphore(%arg12 : memref<!tpu.dma_semaphore, #tpu.memory_space<semaphore_mem>>) src(%arg8 : memref<4096xf32, #tpu.memory_space<vmem>>) dst(%dma_wait3A_200 : memref<4096xf32, #tpu.memory_space<hbm>>)
        %parallel_loop3A_201 = arith.constant 0 : i32
        %parallel_loop3A_202 = arith.constant 256 : i32
        %parallel_loop3A_203 = arith.constant 1 : i32
        scf.for %parallel_loop3A_211 = %parallel_loop3A_201 to %parallel_loop3A_202 step %parallel_loop3A_203  : i32 {
          %parallel_loop3A_212 = arith.constant 16 : i32
          %parallel_loop3A_213 = arith.muli %parallel_loop3A_211, %parallel_loop3A_212 : i32
          %parallel_loop3A_214 = arith.constant 12288 : i32
          %parallel_loop3A_215 = arith.addi %parallel_loop3A_214, %parallel_loop3A_213 : i32
          %parallel_loop3A_216 = arith.index_cast %parallel_loop3A_215 : i32 to index
          %parallel_loop3A_217 = tpu.vector_load %arg6[%parallel_loop3A_216] {strides = array<i32>} : memref<16384xi32, #tpu.memory_space<vmem>>, vector<16xi32>,
          %parallel_loop3A_218 = tpu.vector_load_idx %arg5[%parallel_loop3A_217] : memref<100000xf32, #tpu.memory_space<vmem>>[vector<16xi32>], vector<16xf32>,
          %parallel_loop3A_219 = arith.constant 16 : i32
          %parallel_loop3A_220 = arith.muli %parallel_loop3A_211, %parallel_loop3A_219 : i32
          %parallel_loop3A_221 = arith.index_cast %parallel_loop3A_220 : i32 to index
          %parallel_loop3A_222 = tpu.vector_load %arg8[%parallel_loop3A_221] {strides = array<i32>} : memref<4096xf32, #tpu.memory_space<vmem>>, vector<16xf32>,
          tpu.vector_store %arg8[%parallel_loop3A_221], %parallel_loop3A_218 {strides = array<i32>} : memref<4096xf32, #tpu.memory_space<vmem>>, vector<16xf32>,
        } {sc.loop_unroll_factor = 8 : i64, sc.parallel_access}
        %dma_start3A_204 = arith.constant 12288 : i32
        %dma_start3A_205 = tpu.memref_slice %arg4[%select_n3A_122, %select_n3A_138, %dma_start3A_204] : memref<26x16x16384xf32, #tpu.memory_space<hbm>> -> memref<1x1x4096xf32, #tpu.memory_space<hbm>>
        %dma_start3A_206 = tpu.memref_squeeze %dma_start3A_205 : memref<1x1x4096xf32, #tpu.memory_space<hbm>> -> memref<4096xf32, #tpu.memory_space<hbm>>
        %dma_start3A_207 = arith.constant 12288 : i32
        %dma_start3A_208 = tpu.memref_slice %arg4[%select_n3A_122, %select_n3A_138, %dma_start3A_207] : memref<26x16x16384xf32, #tpu.memory_space<hbm>> -> memref<1x1x4096xf32, #tpu.memory_space<hbm>>
        %dma_start3A_209 = tpu.memref_squeeze %dma_start3A_208 : memref<1x1x4096xf32, #tpu.memory_space<hbm>> -> memref<4096xf32, #tpu.memory_space<hbm>>
        tpu.enqueue_dma source(%arg8 : memref<4096xf32, #tpu.memory_space<vmem>>) target(%dma_start3A_209 : memref<4096xf32, #tpu.memory_space<hbm>>) target_semaphore(%arg12 : memref<!tpu.dma_semaphore, #tpu.memory_space<semaphore_mem>>)
        %while3A_210 = arith.constant false
        scf.yield %while3A_210 : i1
      }
      %while3A_94 = arith.constant 1 : i32
      %while3A_95 = scf.for %while3A_96 = %while3A_91 to %while3A_87 step %while3A_94 iter_args(%while3A_97 = %while3A_93) -> (i1)  : i32 {
        %add3A_98 = arith.addi %mul3A_2, %while3A_96 : i32
        %jit3A_99 = arith.constant 16 : i32
        %div3A_100 = arith.divsi %add3A_98, %jit3A_99 : i32
        %sign3A_101 = arith.constant 0 : i32
        %sign3A_102 = arith.cmpi sgt, %add3A_98, %sign3A_101 : i32
        %sign3A_103 = arith.extui %sign3A_102 : i1 to i32
        %sign3A_104 = arith.constant 0 : i32
        %sign3A_105 = arith.cmpi slt, %add3A_98, %sign3A_104 : i32
        %sign3A_106 = arith.extui %sign3A_105 : i1 to i32
        %sign3A_107 = arith.subi %sign3A_103, %sign3A_106 : i32
        %sign3A_108 = arith.constant 0 : i32
        %sign3A_109 = arith.cmpi sgt, %jit3A_99, %sign3A_108 : i32
        %sign3A_110 = arith.extui %sign3A_109 : i1 to i32
        %sign3A_111 = arith.constant 0 : i32
        %sign3A_112 = arith.cmpi slt, %jit3A_99, %sign3A_111 : i32
        %sign3A_113 = arith.extui %sign3A_112 : i1 to i32
        %sign3A_114 = arith.subi %sign3A_110, %sign3A_113 : i32
        %ne3A_115 = arith.cmpi ne, %sign3A_107, %sign3A_114 : i32
        %rem3A_116 = arith.remsi %add3A_98, %jit3A_99 : i32
        %ne3A_117 = arith.constant 0 : i32
        %ne3A_118 = arith.cmpi ne, %rem3A_116, %ne3A_117 : i32
        %and3A_119 = arith.andi %ne3A_115, %ne3A_118 : i1
        %sub3A_120 = arith.constant 1 : i32
        %sub3A_121 = arith.subi %div3A_100, %sub3A_120 : i32
        %select_n3A_122 = arith.select %and3A_119, %sub3A_121, %div3A_100 : i32
        %jit3A_123 = arith.constant 16 : i32
        %eq3A_124 = arith.constant 0 : i32
        %eq3A_125 = arith.cmpi eq, %jit3A_123, %eq3A_124 : i32
        %jit3A_126 = arith.constant 1 : i32
        %select_n3A_127 = arith.select %eq3A_125, %jit3A_126, %jit3A_123 : i32
        %rem3A_128 = arith.remsi %add3A_98, %select_n3A_127 : i32
        %ne3A_129 = arith.constant 0 : i32
        %ne3A_130 = arith.cmpi ne, %rem3A_128, %ne3A_129 : i32
        %lt3A_131 = arith.constant 0 : i32
        %lt3A_132 = arith.cmpi slt, %rem3A_128, %lt3A_131 : i32
        %lt3A_133 = arith.constant 0 : i32
        %lt3A_134 = arith.cmpi slt, %select_n3A_127, %lt3A_133 : i32
        %ne3A_135 = arith.xori %lt3A_132, %lt3A_134 : i1
        %and3A_136 = arith.andi %ne3A_135, %ne3A_130 : i1
        %add3A_137 = arith.addi %rem3A_128, %select_n3A_127 : i32
        %select_n3A_138 = arith.select %and3A_136, %add3A_137, %rem3A_128 : i32
        %dma_start3A = arith.constant 0 : i32
        %dma_start3A_139 = tpu.memref_slice %arg3[%select_n3A_122, %select_n3A_138, %dma_start3A] : memref<26x16x100000xf32, #tpu.memory_space<hbm>> -> memref<1x1x100000xf32, #tpu.memory_space<hbm>>
        %dma_start3A_140 = tpu.memref_squeeze %dma_start3A_139 : memref<1x1x100000xf32, #tpu.memory_space<hbm>> -> memref<100000xf32, #tpu.memory_space<hbm>>
        %dma_start3A_141 = arith.constant 0 : i32
        %dma_start3A_142 = tpu.memref_slice %arg3[%select_n3A_122, %select_n3A_138, %dma_start3A_141] : memref<26x16x100000xf32, #tpu.memory_space<hbm>> -> memref<1x1x100000xf32, #tpu.memory_space<hbm>>
        %dma_start3A_143 = tpu.memref_squeeze %dma_start3A_142 : memref<1x1x100000xf32, #tpu.memory_space<hbm>> -> memref<100000xf32, #tpu.memory_space<hbm>>
        tpu.enqueue_dma source(%dma_start3A_143 : memref<100000xf32, #tpu.memory_space<hbm>>) target(%arg5 : memref<100000xf32, #tpu.memory_space<vmem>>) target_semaphore(%arg9 : memref<!tpu.dma_semaphore, #tpu.memory_space<semaphore_mem>>)
        %dma_wait3A_144 = arith.constant 0 : i32
        %dma_wait3A_145 = tpu.memref_slice %arg3[%select_n3A_122, %select_n3A_138, %dma_wait3A_144] : memref<26x16x100000xf32, #tpu.memory_space<hbm>> -> memref<1x1x100000xf32, #tpu.memory_space<hbm>>
        %dma_wait3A_146 = tpu.memref_squeeze %dma_wait3A_145 : memref<1x1x100000xf32, #tpu.memory_space<hbm>> -> memref<100000xf32, #tpu.memory_space<hbm>>
        %dma_wait3A_147 = arith.constant 0 : i32
        %dma_wait3A_148 = tpu.memref_slice %arg3[%select_n3A_122, %select_n3A_138, %dma_wait3A_147] : memref<26x16x100000xf32, #tpu.memory_space<hbm>> -> memref<1x1x100000xf32, #tpu.memory_space<hbm>>
        %dma_wait3A_149 = tpu.memref_squeeze %dma_wait3A_148 : memref<1x1x100000xf32, #tpu.memory_space<hbm>> -> memref<100000xf32, #tpu.memory_space<hbm>>
        tpu.wait_dma2 semaphore(%arg9 : memref<!tpu.dma_semaphore, #tpu.memory_space<semaphore_mem>>) src(%dma_wait3A_149 : memref<100000xf32, #tpu.memory_space<hbm>>) dst(%arg5 : memref<100000xf32, #tpu.memory_space<vmem>>)
        %not3A = arith.constant true
        %not3A_150 = arith.xori %while3A_97, %not3A : i1
        %convert_element_type3A_151 = arith.extui %not3A_150 : i1 to i32
        %cond3A_152 = arith.constant 0 : i32
        %cond3A_153 = arith.cmpi ne, %convert_element_type3A_151, %cond3A_152 : i32
        scf.if %cond3A_153 {
          %dma_wait3A_211 = arith.constant 0 : i32
          %dma_wait3A_212 = arith.constant 0 : i32
          %dma_wait3A_213 = arith.constant 0 : i32
          %dma_wait3A_214 = tpu.memref_slice %arg4[%dma_wait3A_211, %dma_wait3A_212, %dma_wait3A_213] : memref<26x16x16384xf32, #tpu.memory_space<hbm>> -> memref<1x1x4096xf32, #tpu.memory_space<hbm>>
          %dma_wait3A_215 = tpu.memref_squeeze %dma_wait3A_214 : memref<1x1x4096xf32, #tpu.memory_space<hbm>> -> memref<4096xf32, #tpu.memory_space<hbm>>
          %dma_wait3A_216 = arith.constant 0 : i32
          %dma_wait3A_217 = tpu.memref_slice %arg4[%dma_wait3A_211, %dma_wait3A_212, %dma_wait3A_216] : memref<26x16x16384xf32, #tpu.memory_space<hbm>> -> memref<1x1x4096xf32, #tpu.memory_space<hbm>>
          %dma_wait3A_218 = tpu.memref_squeeze %dma_wait3A_217 : memref<1x1x4096xf32, #tpu.memory_space<hbm>> -> memref<4096xf32, #tpu.memory_space<hbm>>
          tpu.wait_dma2 semaphore(%arg11 : memref<!tpu.dma_semaphore, #tpu.memory_space<semaphore_mem>>) src(%arg7 : memref<4096xf32, #tpu.memory_space<vmem>>) dst(%dma_wait3A_218 : memref<4096xf32, #tpu.memory_space<hbm>>)
        } else {
        }
        %parallel_loop3A = arith.constant 0 : i32
        %parallel_loop3A_154 = arith.constant 256 : i32
        %parallel_loop3A_155 = arith.constant 1 : i32
        scf.for %parallel_loop3A_211 = %parallel_loop3A to %parallel_loop3A_154 step %parallel_loop3A_155  : i32 {
          %parallel_loop3A_212 = arith.constant 16 : i32
          %parallel_loop3A_213 = arith.muli %parallel_loop3A_211, %parallel_loop3A_212 : i32
          %parallel_loop3A_214 = arith.constant 0 : i32
          %parallel_loop3A_215 = arith.addi %parallel_loop3A_214, %parallel_loop3A_213 : i32
          %parallel_loop3A_216 = arith.index_cast %parallel_loop3A_215 : i32 to index
          %parallel_loop3A_217 = tpu.vector_load %arg6[%parallel_loop3A_216] {strides = array<i32>} : memref<16384xi32, #tpu.memory_space<vmem>>, vector<16xi32>,
          %parallel_loop3A_218 = tpu.vector_load_idx %arg5[%parallel_loop3A_217] : memref<100000xf32, #tpu.memory_space<vmem>>[vector<16xi32>], vector<16xf32>,
          %parallel_loop3A_219 = arith.constant 16 : i32
          %parallel_loop3A_220 = arith.muli %parallel_loop3A_211, %parallel_loop3A_219 : i32
          %parallel_loop3A_221 = arith.index_cast %parallel_loop3A_220 : i32 to index
          %parallel_loop3A_222 = tpu.vector_load %arg7[%parallel_loop3A_221] {strides = array<i32>} : memref<4096xf32, #tpu.memory_space<vmem>>, vector<16xf32>,
          tpu.vector_store %arg7[%parallel_loop3A_221], %parallel_loop3A_218 {strides = array<i32>} : memref<4096xf32, #tpu.memory_space<vmem>>, vector<16xf32>,
        } {sc.loop_unroll_factor = 8 : i64, sc.parallel_access}
        %dma_start3A_156 = arith.constant 0 : i32
        %dma_start3A_157 = tpu.memref_slice %arg4[%select_n3A_122, %select_n3A_138, %dma_start3A_156] : memref<26x16x16384xf32, #tpu.memory_space<hbm>> -> memref<1x1x4096xf32, #tpu.memory_space<hbm>>
        %dma_start3A_158 = tpu.memref_squeeze %dma_start3A_157 : memref<1x1x4096xf32, #tpu.memory_space<hbm>> -> memref<4096xf32, #tpu.memory_space<hbm>>
        %dma_start3A_159 = arith.constant 0 : i32
        %dma_start3A_160 = tpu.memref_slice %arg4[%select_n3A_122, %select_n3A_138, %dma_start3A_159] : memref<26x16x16384xf32, #tpu.memory_space<hbm>> -> memref<1x1x4096xf32, #tpu.memory_space<hbm>>
        %dma_start3A_161 = tpu.memref_squeeze %dma_start3A_160 : memref<1x1x4096xf32, #tpu.memory_space<hbm>> -> memref<4096xf32, #tpu.memory_space<hbm>>
        tpu.enqueue_dma source(%arg7 : memref<4096xf32, #tpu.memory_space<vmem>>) target(%dma_start3A_161 : memref<4096xf32, #tpu.memory_space<hbm>>) target_semaphore(%arg11 : memref<!tpu.dma_semaphore, #tpu.memory_space<semaphore_mem>>)
        %not3A_162 = arith.constant true
        %not3A_163 = arith.xori %while3A_97, %not3A_162 : i1
        %convert_element_type3A_164 = arith.extui %not3A_163 : i1 to i32
        %cond3A_165 = arith.constant 0 : i32
        %cond3A_166 = arith.cmpi ne, %convert_element_type3A_164, %cond3A_165 : i32
        scf.if %cond3A_166 {
          %dma_wait3A_211 = arith.constant 0 : i32
          %dma_wait3A_212 = arith.constant 0 : i32
          %dma_wait3A_213 = arith.constant 0 : i32
          %dma_wait3A_214 = tpu.memref_slice %arg4[%dma_wait3A_211, %dma_wait3A_212, %dma_wait3A_213] : memref<26x16x16384xf32, #tpu.memory_space<hbm>> -> memref<1x1x4096xf32, #tpu.memory_space<hbm>>
          %dma_wait3A_215 = tpu.memref_squeeze %dma_wait3A_214 : memref<1x1x4096xf32, #tpu.memory_space<hbm>> -> memref<4096xf32, #tpu.memory_space<hbm>>
          %dma_wait3A_216 = arith.constant 0 : i32
          %dma_wait3A_217 = tpu.memref_slice %arg4[%dma_wait3A_211, %dma_wait3A_212, %dma_wait3A_216] : memref<26x16x16384xf32, #tpu.memory_space<hbm>> -> memref<1x1x4096xf32, #tpu.memory_space<hbm>>
          %dma_wait3A_218 = tpu.memref_squeeze %dma_wait3A_217 : memref<1x1x4096xf32, #tpu.memory_space<hbm>> -> memref<4096xf32, #tpu.memory_space<hbm>>
          tpu.wait_dma2 semaphore(%arg12 : memref<!tpu.dma_semaphore, #tpu.memory_space<semaphore_mem>>) src(%arg8 : memref<4096xf32, #tpu.memory_space<vmem>>) dst(%dma_wait3A_218 : memref<4096xf32, #tpu.memory_space<hbm>>)
        } else {
        }
        %parallel_loop3A_167 = arith.constant 0 : i32
        %parallel_loop3A_168 = arith.constant 256 : i32
        %parallel_loop3A_169 = arith.constant 1 : i32
        scf.for %parallel_loop3A_211 = %parallel_loop3A_167 to %parallel_loop3A_168 step %parallel_loop3A_169  : i32 {
          %parallel_loop3A_212 = arith.constant 16 : i32
          %parallel_loop3A_213 = arith.muli %parallel_loop3A_211, %parallel_loop3A_212 : i32
          %parallel_loop3A_214 = arith.constant 4096 : i32
          %parallel_loop3A_215 = arith.addi %parallel_loop3A_214, %parallel_loop3A_213 : i32
          %parallel_loop3A_216 = arith.index_cast %parallel_loop3A_215 : i32 to index
          %parallel_loop3A_217 = tpu.vector_load %arg6[%parallel_loop3A_216] {strides = array<i32>} : memref<16384xi32, #tpu.memory_space<vmem>>, vector<16xi32>,
          %parallel_loop3A_218 = tpu.vector_load_idx %arg5[%parallel_loop3A_217] : memref<100000xf32, #tpu.memory_space<vmem>>[vector<16xi32>], vector<16xf32>,
          %parallel_loop3A_219 = arith.constant 16 : i32
          %parallel_loop3A_220 = arith.muli %parallel_loop3A_211, %parallel_loop3A_219 : i32
          %parallel_loop3A_221 = arith.index_cast %parallel_loop3A_220 : i32 to index
          %parallel_loop3A_222 = tpu.vector_load %arg8[%parallel_loop3A_221] {strides = array<i32>} : memref<4096xf32, #tpu.memory_space<vmem>>, vector<16xf32>,
          tpu.vector_store %arg8[%parallel_loop3A_221], %parallel_loop3A_218 {strides = array<i32>} : memref<4096xf32, #tpu.memory_space<vmem>>, vector<16xf32>,
        } {sc.loop_unroll_factor = 8 : i64, sc.parallel_access}
        %dma_start3A_170 = arith.constant 4096 : i32
        %dma_start3A_171 = tpu.memref_slice %arg4[%select_n3A_122, %select_n3A_138, %dma_start3A_170] : memref<26x16x16384xf32, #tpu.memory_space<hbm>> -> memref<1x1x4096xf32, #tpu.memory_space<hbm>>
        %dma_start3A_172 = tpu.memref_squeeze %dma_start3A_171 : memref<1x1x4096xf32, #tpu.memory_space<hbm>> -> memref<4096xf32, #tpu.memory_space<hbm>>
        %dma_start3A_173 = arith.constant 4096 : i32
        %dma_start3A_174 = tpu.memref_slice %arg4[%select_n3A_122, %select_n3A_138, %dma_start3A_173] : memref<26x16x16384xf32, #tpu.memory_space<hbm>> -> memref<1x1x4096xf32, #tpu.memory_space<hbm>>
        %dma_start3A_175 = tpu.memref_squeeze %dma_start3A_174 : memref<1x1x4096xf32, #tpu.memory_space<hbm>> -> memref<4096xf32, #tpu.memory_space<hbm>>
        tpu.enqueue_dma source(%arg8 : memref<4096xf32, #tpu.memory_space<vmem>>) target(%dma_start3A_175 : memref<4096xf32, #tpu.memory_space<hbm>>) target_semaphore(%arg12 : memref<!tpu.dma_semaphore, #tpu.memory_space<semaphore_mem>>)
        %dma_wait3A_176 = arith.constant 0 : i32
        %dma_wait3A_177 = arith.constant 0 : i32
        %dma_wait3A_178 = arith.constant 0 : i32
        %dma_wait3A_179 = tpu.memref_slice %arg4[%dma_wait3A_176, %dma_wait3A_177, %dma_wait3A_178] : memref<26x16x16384xf32, #tpu.memory_space<hbm>> -> memref<1x1x4096xf32, #tpu.memory_space<hbm>>
        %dma_wait3A_180 = tpu.memref_squeeze %dma_wait3A_179 : memref<1x1x4096xf32, #tpu.memory_space<hbm>> -> memref<4096xf32, #tpu.memory_space<hbm>>
        %dma_wait3A_181 = arith.constant 0 : i32
        %dma_wait3A_182 = tpu.memref_slice %arg4[%dma_wait3A_176, %dma_wait3A_177, %dma_wait3A_181] : memref<26x16x16384xf32, #tpu.memory_space<hbm>> -> memref<1x1x4096xf32, #tpu.memory_space<hbm>>
        %dma_wait3A_183 = tpu.memref_squeeze %dma_wait3A_182 : memref<1x1x4096xf32, #tpu.memory_space<hbm>> -> memref<4096xf32, #tpu.memory_space<hbm>>
        tpu.wait_dma2 semaphore(%arg11 : memref<!tpu.dma_semaphore, #tpu.memory_space<semaphore_mem>>) src(%arg7 : memref<4096xf32, #tpu.memory_space<vmem>>) dst(%dma_wait3A_183 : memref<4096xf32, #tpu.memory_space<hbm>>)
        %parallel_loop3A_184 = arith.constant 0 : i32
        %parallel_loop3A_185 = arith.constant 256 : i32
        %parallel_loop3A_186 = arith.constant 1 : i32
        scf.for %parallel_loop3A_211 = %parallel_loop3A_184 to %parallel_loop3A_185 step %parallel_loop3A_186  : i32 {
          %parallel_loop3A_212 = arith.constant 16 : i32
          %parallel_loop3A_213 = arith.muli %parallel_loop3A_211, %parallel_loop3A_212 : i32
          %parallel_loop3A_214 = arith.constant 8192 : i32
          %parallel_loop3A_215 = arith.addi %parallel_loop3A_214, %parallel_loop3A_213 : i32
          %parallel_loop3A_216 = arith.index_cast %parallel_loop3A_215 : i32 to index
          %parallel_loop3A_217 = tpu.vector_load %arg6[%parallel_loop3A_216] {strides = array<i32>} : memref<16384xi32, #tpu.memory_space<vmem>>, vector<16xi32>,
          %parallel_loop3A_218 = tpu.vector_load_idx %arg5[%parallel_loop3A_217] : memref<100000xf32, #tpu.memory_space<vmem>>[vector<16xi32>], vector<16xf32>,
          %parallel_loop3A_219 = arith.constant 16 : i32
          %parallel_loop3A_220 = arith.muli %parallel_loop3A_211, %parallel_loop3A_219 : i32
          %parallel_loop3A_221 = arith.index_cast %parallel_loop3A_220 : i32 to index
          %parallel_loop3A_222 = tpu.vector_load %arg7[%parallel_loop3A_221] {strides = array<i32>} : memref<4096xf32, #tpu.memory_space<vmem>>, vector<16xf32>,
          tpu.vector_store %arg7[%parallel_loop3A_221], %parallel_loop3A_218 {strides = array<i32>} : memref<4096xf32, #tpu.memory_space<vmem>>, vector<16xf32>,
        } {sc.loop_unroll_factor = 8 : i64, sc.parallel_access}
        %dma_start3A_187 = arith.constant 8192 : i32
        %dma_start3A_188 = tpu.memref_slice %arg4[%select_n3A_122, %select_n3A_138, %dma_start3A_187] : memref<26x16x16384xf32, #tpu.memory_space<hbm>> -> memref<1x1x4096xf32, #tpu.memory_space<hbm>>
        %dma_start3A_189 = tpu.memref_squeeze %dma_start3A_188 : memref<1x1x4096xf32, #tpu.memory_space<hbm>> -> memref<4096xf32, #tpu.memory_space<hbm>>
        %dma_start3A_190 = arith.constant 8192 : i32
        %dma_start3A_191 = tpu.memref_slice %arg4[%select_n3A_122, %select_n3A_138, %dma_start3A_190] : memref<26x16x16384xf32, #tpu.memory_space<hbm>> -> memref<1x1x4096xf32, #tpu.memory_space<hbm>>
        %dma_start3A_192 = tpu.memref_squeeze %dma_start3A_191 : memref<1x1x4096xf32, #tpu.memory_space<hbm>> -> memref<4096xf32, #tpu.memory_space<hbm>>
        tpu.enqueue_dma source(%arg7 : memref<4096xf32, #tpu.memory_space<vmem>>) target(%dma_start3A_192 : memref<4096xf32, #tpu.memory_space<hbm>>) target_semaphore(%arg11 : memref<!tpu.dma_semaphore, #tpu.memory_space<semaphore_mem>>)
        %dma_wait3A_193 = arith.constant 0 : i32
        %dma_wait3A_194 = arith.constant 0 : i32
        %dma_wait3A_195 = arith.constant 0 : i32
        %dma_wait3A_196 = tpu.memref_slice %arg4[%dma_wait3A_193, %dma_wait3A_194, %dma_wait3A_195] : memref<26x16x16384xf32, #tpu.memory_space<hbm>> -> memref<1x1x4096xf32, #tpu.memory_space<hbm>>
        %dma_wait3A_197 = tpu.memref_squeeze %dma_wait3A_196 : memref<1x1x4096xf32, #tpu.memory_space<hbm>> -> memref<4096xf32, #tpu.memory_space<hbm>>
        %dma_wait3A_198 = arith.constant 0 : i32
        %dma_wait3A_199 = tpu.memref_slice %arg4[%dma_wait3A_193, %dma_wait3A_194, %dma_wait3A_198] : memref<26x16x16384xf32, #tpu.memory_space<hbm>> -> memref<1x1x4096xf32, #tpu.memory_space<hbm>>
        %dma_wait3A_200 = tpu.memref_squeeze %dma_wait3A_199 : memref<1x1x4096xf32, #tpu.memory_space<hbm>> -> memref<4096xf32, #tpu.memory_space<hbm>>
        tpu.wait_dma2 semaphore(%arg12 : memref<!tpu.dma_semaphore, #tpu.memory_space<semaphore_mem>>) src(%arg8 : memref<4096xf32, #tpu.memory_space<vmem>>) dst(%dma_wait3A_200 : memref<4096xf32, #tpu.memory_space<hbm>>)
        %parallel_loop3A_201 = arith.constant 0 : i32
        %parallel_loop3A_202 = arith.constant 256 : i32
        %parallel_loop3A_203 = arith.constant 1 : i32
        scf.for %parallel_loop3A_211 = %parallel_loop3A_201 to %parallel_loop3A_202 step %parallel_loop3A_203  : i32 {
          %parallel_loop3A_212 = arith.constant 16 : i32
          %parallel_loop3A_213 = arith.muli %parallel_loop3A_211, %parallel_loop3A_212 : i32
          %parallel_loop3A_214 = arith.constant 12288 : i32
          %parallel_loop3A_215 = arith.addi %parallel_loop3A_214, %parallel_loop3A_213 : i32
          %parallel_loop3A_216 = arith.index_cast %parallel_loop3A_215 : i32 to index
          %parallel_loop3A_217 = tpu.vector_load %arg6[%parallel_loop3A_216] {strides = array<i32>} : memref<16384xi32, #tpu.memory_space<vmem>>, vector<16xi32>,
          %parallel_loop3A_218 = tpu.vector_load_idx %arg5[%parallel_loop3A_217] : memref<100000xf32, #tpu.memory_space<vmem>>[vector<16xi32>], vector<16xf32>,
          %parallel_loop3A_219 = arith.constant 16 : i32
          %parallel_loop3A_220 = arith.muli %parallel_loop3A_211, %parallel_loop3A_219 : i32
          %parallel_loop3A_221 = arith.index_cast %parallel_loop3A_220 : i32 to index
          %parallel_loop3A_222 = tpu.vector_load %arg8[%parallel_loop3A_221] {strides = array<i32>} : memref<4096xf32, #tpu.memory_space<vmem>>, vector<16xf32>,
          tpu.vector_store %arg8[%parallel_loop3A_221], %parallel_loop3A_218 {strides = array<i32>} : memref<4096xf32, #tpu.memory_space<vmem>>, vector<16xf32>,
        } {sc.loop_unroll_factor = 8 : i64, sc.parallel_access}
        %dma_start3A_204 = arith.constant 12288 : i32
        %dma_start3A_205 = tpu.memref_slice %arg4[%select_n3A_122, %select_n3A_138, %dma_start3A_204] : memref<26x16x16384xf32, #tpu.memory_space<hbm>> -> memref<1x1x4096xf32, #tpu.memory_space<hbm>>
        %dma_start3A_206 = tpu.memref_squeeze %dma_start3A_205 : memref<1x1x4096xf32, #tpu.memory_space<hbm>> -> memref<4096xf32, #tpu.memory_space<hbm>>
        %dma_start3A_207 = arith.constant 12288 : i32
        %dma_start3A_208 = tpu.memref_slice %arg4[%select_n3A_122, %select_n3A_138, %dma_start3A_207] : memref<26x16x16384xf32, #tpu.memory_space<hbm>> -> memref<1x1x4096xf32, #tpu.memory_space<hbm>>
        %dma_start3A_209 = tpu.memref_squeeze %dma_start3A_208 : memref<1x1x4096xf32, #tpu.memory_space<hbm>> -> memref<4096xf32, #tpu.memory_space<hbm>>
        tpu.enqueue_dma source(%arg8 : memref<4096xf32, #tpu.memory_space<vmem>>) target(%dma_start3A_209 : memref<4096xf32, #tpu.memory_space<hbm>>) target_semaphore(%arg12 : memref<!tpu.dma_semaphore, #tpu.memory_space<semaphore_mem>>)
        %while3A_210 = arith.constant false
        scf.yield %while3A_210 : i1
      }
    } else {
    }
    %dma_wait3A = arith.constant 0 : i32
    %dma_wait3A_68 = arith.constant 0 : i32
    %dma_wait3A_69 = arith.constant 0 : i32
    %dma_wait3A_70 = tpu.memref_slice %arg4[%dma_wait3A, %dma_wait3A_68, %dma_wait3A_69] : memref<26x16x16384xf32, #tpu.memory_space<hbm>> -> memref<1x1x4096xf32, #tpu.memory_space<hbm>>
    %dma_wait3A_71 = tpu.memref_squeeze %dma_wait3A_70 : memref<1x1x4096xf32, #tpu.memory_space<hbm>> -> memref<4096xf32, #tpu.memory_space<hbm>>
    %dma_wait3A_72 = arith.constant 0 : i32
    %dma_wait3A_73 = tpu.memref_slice %arg4[%dma_wait3A, %dma_wait3A_68, %dma_wait3A_72] : memref<26x16x16384xf32, #tpu.memory_space<hbm>> -> memref<1x1x4096xf32, #tpu.memory_space<hbm>>
    %dma_wait3A_74 = tpu.memref_squeeze %dma_wait3A_73 : memref<1x1x4096xf32, #tpu.memory_space<hbm>> -> memref<4096xf32, #tpu.memory_space<hbm>>
    tpu.wait_dma2 semaphore(%arg11 : memref<!tpu.dma_semaphore, #tpu.memory_space<semaphore_mem>>) src(%arg7 : memref<4096xf32, #tpu.memory_space<vmem>>) dst(%dma_wait3A_74 : memref<4096xf32, #tpu.memory_space<hbm>>)
    %dma_wait3A_75 = arith.constant 0 : i32
    %dma_wait3A_76 = arith.constant 0 : i32
    %dma_wait3A_77 = arith.constant 0 : i32
    %dma_wait3A_78 = tpu.memref_slice %arg4[%dma_wait3A_75, %dma_wait3A_76, %dma_wait3A_77] : memref<26x16x16384xf32, #tpu.memory_space<hbm>> -> memref<1x1x4096xf32, #tpu.memory_space<hbm>>
    %dma_wait3A_79 = tpu.memref_squeeze %dma_wait3A_78 : memref<1x1x4096xf32, #tpu.memory_space<hbm>> -> memref<4096xf32, #tpu.memory_space<hbm>>
    %dma_wait3A_80 = arith.constant 0 : i32
    %dma_wait3A_81 = tpu.memref_slice %arg4[%dma_wait3A_75, %dma_wait3A_76, %dma_wait3A_80] : memref<26x16x16384xf32, #tpu.memory_space<hbm>> -> memref<1x1x4096xf32, #tpu.memory_space<hbm>>
    %dma_wait3A_82 = tpu.memref_squeeze %dma_wait3A_81 : memref<1x1x4096xf32, #tpu.memory_space<hbm>> -> memref<4096xf32, #tpu.memory_space<hbm>>
    tpu.wait_dma2 semaphore(%arg12 : memref<!tpu.dma_semaphore, #tpu.memory_space<semaphore_mem>>) src(%arg8 : memref<4096xf32, #tpu.memory_space<vmem>>) dst(%dma_wait3A_82 : memref<4096xf32, #tpu.memory_space<hbm>>)
    return
  }
}

</mosaic_0001>

<sc_bundles>
// kernel: kernel.3.cloned.1.call-start
scs
__scs_entry_jumppad:
0x0: {  	(pc) =	sbr.rel $0x88, $3  }
0x1: {  	(tag) =	ssettag $0x0;
	lr =	simm.s32 $0x1  }
0x2: {  	[smem:$0x3F9F] =	sst lr;
	_ =	strace $0xD0000000  }
0x3: {  	_ = 	snop  }
0x4: {  	_ = 	snop  }
0x5: {  	_ = 	snop  }
0x6: {  	_ = 	snop  }
0x7: {  	_ = 	snop  }
__scs_overlays_trampoline_lowered:
0x8: {  	[smem:$0x3FAE] =	sst s0  }
0x9: {  	[smem:$0x3FAF] =	sst s1  }
0xa: {  	[smem:$0x3FB0] =	sst s2  }
0xb: {  	[smem:$0x3FB1] =	sst s3  }
0xc: {  	[smem:$0x3FB2] =	sst s4  }
0xd: {  	[smem:$0x3FB3] =	sst s5  }
0xe: {  	[smem:$0x3FB4] =	sst s6  }
0xf: {  	[smem:$0x3FB5] =	sst s7  }
0x10: {  	[smem:$0x3FB6] =	sst s8  }
0x11: {  	[smem:$0x3FB7] =	sst s9;
	s0 =	simm.s32 @!p0 $0x0  }
0x12: {  	s1 =	sld [smem:$0x3F9D];
	s0 =	simm.s32 @p0 $0x1  }
0x13: {  	[smem:$0x3FB8] =	sst s0;
	s0 =	simm.s32 @!p1 $0x0  }
0x14: {  	s2 =	sld [smem:$0x3F9C];
	s0 =	simm.s32 @p1 $0x1  }
0x15: {  	[smem:$0x3FB9] =	sst s0;
	s0 =	simm.s32 @!p2 $0x0  }
0x16: {  	s3 =	sld [smem:$0x3FDB];
	s0 =	simm.s32 @p2 $0x1  }
0x17: {  	s4 =	simm.s32 $0x1BF5;
	[smem:$0x3FBB] =	sst s0  }
0x18: {  	s0 =	sld [smem:$0x3F9E];
	_ =	swait.ge [sflag:s4], $0x0  }
0x19: {  	s7 =	sld [smem:$0x3F9F]  }
0x1a: {  	s8 =	sadd.s32 $0xFFFFE003, lr  }
0x1b: {  	s9 =	sadd.s32 $0xFFFFFEF7, lr;
	s5 =	simm.s32 $0xFFFFFFFF;
	p2 =	slt.u32 s8, $0xFFFFF086  }
0x1c: {  	p1 =	slt.u32 s9, $0xF7A;
	s5 =	simm.s32 @!p2 $0x0  }
0x1d: {  	s5 =	simm.s32 @p1 $0x1;
	p0 =	seq.s32 s7, s2  }
0x1e: {  	s7 =	smul.u32 @!p0 $0xF7A, s2;
	p2 =	seq.s32 @!p0 s5, $0x0  }
0x1f: {  	s9 =	smul.u32 $0xF7A, s1;
	s8 =	simm.s32 @!p0 $0x1BF5;
	p2 =	por !p2, p0  }
0x20: {  	[sflag:s8] =	ssyncset.s32 @!p0 $0xFFFFF086;
	s6 =	sadd.s32 @!p0 s3, s7;
	s7 =	simm.s32 @!p0 $0x108  }
0x21: {  	s3 =	sadd.s32 s3, s9;
	s6 =	sadd.s32 @!p0 $0x88, s6;
	s7 =	simm.s32 @p2 $0x1082  }
0x22: {  	[simem:s7], [sflag:s8] =	dma.local @!p0 [hbm:s6], $0xF7A  }
0x23: {  	s9 =	sor.u32 $0xD0000000, s2;
	s6 =	simm.s32 $0x108;
	_ =	swait.ge @!p0 [sflag:s8], $0x0  }
0x24: {  	s3 =	sadd.s32 $0x88, s3;
	s6 =	simm.s32 @!p1 $0x1082;
	[sflag:s4] =	ssyncset.s32 $0xFFFFF086  }
0x25: {  	[simem:s6], [sflag:s4] =	dma.local [hbm:s3], $0xF7A  }
0x26: {  	[smem:$0x3F9F] =	sst s1;
	(tag) =	ssettag s2;
	_ =	strace s9  }
0x27: {  	s1 =	sld [smem:$0x3FAF]  }
0x28: {  	s2 =	sld [smem:$0x3FB0]  }
0x29: {  	s4 =	sld [smem:$0x3FB2]  }
0x2a: {  	p0 =	seq.s32 s5, $0x0;
	s5 =	sld [smem:$0x3FB3]  }
0x2b: {  	s6 =	sld [smem:$0x3FB4]  }
0x2c: {  	s7 =	sld [smem:$0x3FB5]  }
0x2d: {  	s3 =	simm.s32 $0x108;
	s8 =	sld [smem:$0x3FB6]  }
0x2e: {  	s3 =	simm.s32 @!p0 $0x1082;
	s9 =	sld [smem:$0x3FB7]  }
0x2f: {  	lr =	sadd.s32 s0, s3;
	s0 =	sld [smem:$0x3FAE]  }
0x30: {  	s3 =	sld [smem:$0x3FB1]  }
0x31: {  	[smem:$0x3FBA] =	sst s10  }
0x32: {  	s10 =	sld [smem:$0x3FB8];
	_ =	sdelay $0x3  }
0x33: {  	p0 =	seq.s32 s10, $0x1;
	s10 =	sld [smem:$0x3FBA];
	_ =	sdelay $0x3  }
0x34: {  	[smem:$0x3FBA] =	sst s10  }
0x35: {  	s10 =	sld [smem:$0x3FB9];
	_ =	sdelay $0x3  }
0x36: {  	p1 =	seq.s32 s10, $0x1;
	s10 =	sld [smem:$0x3FBA];
	_ =	sdelay $0x3  }
0x37: {  	[smem:$0x3FBA] =	sst s10  }
0x38: {  	s10 =	sld [smem:$0x3FBB]  }
0x39: {  	_ = 	snop;
	(pc) =	sbr.ind lr, $3  }
0x3a: {  	_ = 	snop  }
0x3b: {  	_ = 	snop  }
0x3c: {  	p2 =	seq.s32 s10, $0x1;
	s10 =	sld [smem:$0x3FBA]  }
0x3d: {  	_ =	shalt  }
0x3e: {  	_ =	shalt  }
0x3f: {  	_ =	shalt  }
0x40: {  	_ =	shalt  }
0x41: {  	_ =	shalt  }
0x42: {  	_ =	shalt  }
0x43: {  	_ =	shalt  }
0x44: {  	_ =	shalt  }
0x45: {  	_ =	shalt  }
0x46: {  	_ =	shalt  }
0x47: {  	_ =	shalt  }
0x48: {  	_ =	shalt  }
0x49: {  	_ =	shalt  }
0x4a: {  	_ =	shalt  }
0x4b: {  	_ =	shalt  }
0x4c: {  	_ =	shalt  }
0x4d: {  	_ =	shalt  }
0x4e: {  	_ =	shalt  }
0x4f: {  	_ =	shalt  }
0x50: {  	_ =	shalt  }
0x51: {  	_ =	shalt  }
0x52: {  	_ =	shalt  }
0x53: {  	_ =	shalt  }
0x54: {  	_ =	shalt  }
0x55: {  	_ =	shalt  }
0x56: {  	_ =	shalt  }
0x57: {  	_ =	shalt  }
0x58: {  	_ =	shalt  }
0x59: {  	_ =	shalt  }
0x5a: {  	_ =	shalt  }
0x5b: {  	_ =	shalt  }
0x5c: {  	_ =	shalt  }
0x5d: {  	_ =	shalt  }
0x5e: {  	_ =	shalt  }
0x5f: {  	_ =	shalt  }
0x60: {  	_ =	shalt  }
0x61: {  	_ =	shalt  }
0x62: {  	_ =	shalt  }
0x63: {  	_ =	shalt  }
0x64: {  	_ =	shalt  }
0x65: {  	_ =	shalt  }
0x66: {  	_ =	shalt  }
0x67: {  	_ =	shalt  }
0x68: {  	_ =	shalt  }
0x69: {  	_ =	shalt  }
0x6a: {  	_ =	shalt  }
0x6b: {  	_ =	shalt  }
0x6c: {  	_ =	shalt  }
0x6d: {  	_ =	shalt  }
0x6e: {  	_ =	shalt  }
0x6f: {  	_ =	shalt  }
0x70: {  	_ =	shalt  }
0x71: {  	_ =	shalt  }
0x72: {  	_ =	shalt  }
0x73: {  	_ =	shalt  }
0x74: {  	_ =	shalt  }
0x75: {  	_ =	shalt  }
0x76: {  	_ =	shalt  }
0x77: {  	_ =	shalt  }
0x78: {  	_ =	shalt  }
0x79: {  	_ =	shalt  }
0x7a: {  	_ =	shalt  }
0x7b: {  	_ =	shalt  }
0x7c: {  	_ =	shalt  }
0x7d: {  	_ =	shalt  }
0x7e: {  	_ =	shalt  }
0x7f: {  	_ =	shalt  }
0x80: {  	_ =	shalt  }
0x81: {  	_ =	shalt  }
0x82: {  	_ =	shalt  }
0x83: {  	_ =	shalt  }
0x84: {  	_ =	shalt  }
0x85: {  	_ =	shalt  }
0x86: {  	_ =	shalt  }
0x87: {  	_ =	shalt  }
.Lfunc_end0:
.L_simem_size_0:
called_computation_lowered:
.L_overlay_start_0:
0x88: {  	s2 =	sld [smem:$0x3FD9]  }
0x89: {  	s3 =	sld [smem:$0x3FFE];
	_ =	sdelay $0x1  }
0x8a: {  	s1 =	srdreg.scid  }
0x8b: {  	s0 =	sand.u32 $0x1, s1  }
0x8c: {  	s18 =	sshll.u32 s0, $0xA;
	s2 =	sadd.s32 s3, s2  }
0x8d: {  	s2 =	sadd.s32 s2, s18  }
0x8e: {  	[smem:$0x3FC6] =	sst s2  }
0x8f: {  	_ = 	snop  }
0x90: {  	s2 =	sld [smem:$0x3FC9]  }
0x91: {  	s19 =	sld [smem:$0x3FC8]  }
0x92: {  	s4 =	sld [smem:$0x3FD0];
	(tm) =	ssettm $0x1  }
0x93: {  	s5 =	sld [smem:$0x3FFB];
	_ =	sdelay $0x3  }
0x94: {  	_ =	strace s5  }
0x95: {  	s5 =	sld [smem:$0x3FFC];
	_ =	sdelay $0x3  }
0x96: {  	_ =	strace s5  }
0x97: {  	s5 =	sld [smem:$0x3FFD];
	_ =	sdelay $0x3  }
0x98: {  	_ =	strace s5  }
0x99: {  	_ =	strace $0x8FFFFFFF  }
0x9a: {  	s20 =	sld [smem:$0x3FDB];
	_ =	sdelay $0x1  }
0x9b: {  	s6 =	simm.s32 $_scs_section_size  }
0x9c: {  	s7 =	simm.s32 $_size__tile_overlayer_lowered;
	s8 =	simm.s32 $_tile_overlayer_lowered  }
0x9d: {  	s23 =	simm.s32 $0x1BFF;
	s22 =	sshll.u32 s8, $0x1;
	s5 =	sadd.s32 s6, s20  }
0x9e: {  	s9 =	simm.s32 $0x0;
	s21 =	sshll.u32 s7, $0x1;
	s7 =	sadd.s32 s22, s5  }
0x9f: {  	[timem:s9], [sflag:s23] =	dma.local [hbm:s7], s21  }
0xa0: {  	_ =	swait.ge [sflag:s23], s21  }
0xa1: {  	s6 =	ssub.s32 $0x0, s21;
	[sflag:s23] =	ssyncset.done $0x0  }
0xa2: {  	[sflag:s23] =	ssyncadd.s32 s6;
	_ =	sdelay $0x1  }
0xa3: {  	s24 =	simm.s32 $0x1B8B  }
0xa4: {  	_ =	swait.ge [sflag:s24], $0x1  }
0xa5: {  	[sflag:s24] =	ssyncset.done $0x0  }
0xa6: {  	s25 =	simm.s32 $0x1B8E;
	[sflag:s24] =	ssyncadd.s32 $0xFFFFFFFF  }
0xa7: {  	s26 =	simm.s32 $execute0_lowered;
	[smem:$0x3FD2] =	sst s25  }
0xa8: {  	s6 =	sshll.u32 s26, $0x1;
	_ =	strace $0x80000046;
	[dreg:$0x1] =	wrdreg $0xFFFFFFFF  }
0xa9: {  	s28 =	simm.s32 $_size_execute0_lowered;
	s5 =	sadd.s32 s5, s6;
	[dreg:$0x0] =	wrdreg $0x0  }
0xaa: {  	s6 =	sshll.u32 s28, $0x1;
	[dreg:$0x2] =	wrdreg s5  }
0xab: {  	[dreg:$0x3] =	wrdreg s6  }
0xac: {  	[dreg:$0x4] =	wrdreg $0xC0  }
0xad: {  	_ =	task [dreg:s9], $0x5FFFF  }
0xae: {  	[dreg:$0x1] =	wrdreg $0xFFFFFFFF  }
0xaf: {  	[dreg:$0x0] =	wrdreg $0x60  }
0xb0: {  	[dreg:$0x2] =	wrdreg s2  }
0xb1: {  	[dreg:$0x3] =	wrdreg s19  }
0xb2: {  	[dreg:$0x4] =	wrdreg s4  }
0xb3: {  	[dreg:$0x5] =	wrdreg $0x9  }
0xb4: {  	_ =	task.clear_ibuf [dreg:s9], $0x6FFFF;
	_ =	strace $0x90000046  }
0xb5: {  	s29 =	simm.s32 $0x9;
	_ =	strace $0x80000048  }
0xb6: {  	_ =	swait.ge [sflag:s29], $0x1  }
0xb7: {  	[sflag:s29] =	ssyncadd.s32 $0xFFFFFFFF  }
0xb8: {  	_ =	strace $0x90000048  }
0xb9: {  	_ =	sfence  }
0xba: {  	s30 =	sld [smem:$0x0];
	_ =	sdelay $0x2  }
0xbb: {  	s31 =	sshll.u32 s1, $0xD;
	s1 =	sshrl.u32 s1, $0x2  }
0xbc: {  	s3 =	sand.u32 $0x4000, s31;
	s1 =	sadd.s32 s1, s30  }
0xbd: {  	s0 =	sor.u32 s3, s0;
	s1 =	sshll.u32 s1, $0x11  }
0xbe: {  	s0 =	sor.u32 s1, s0  }
0xbf: {  	s0 =	sadd.s32 $0x8F2B, s0  }
0xc0: {  	[sflag:s0] =	ssyncadd.remote.s32 $0x1  }
0xc1: {  	_ =	sfence.sel $0xFFFF  }
0xc2: {  	[dreg:$0x0] =	wrdreg $0xFFFFFFFF;
	(pc) =	sbr.abs _section_cstart, $3  }
0xc3: {  	[dreg:$0x1] =	wrdreg $0xFFFFFFFF  }
0xc4: {  	_ =	task.clear_ibuf [dreg:s9], $0x2FFFF;
	_ =	strace $0x9FFFFFFF  }
0xc5: {  	(tm) =	ssettm $0x7FFFFFFF  }
tec
execute0_lowered:
.L_overlay_start_1:
0x0: {  	(tag) =	ssettag $0x1  }
0x1: {  	s0 =	srdreg.scid;
	s12 =	rddreg [dreg:$0x0]  }
0x2: {  	s10 =	stileid.u32;
	s4 =	rddreg [dreg:$0x1]  }
0x3: {  	s5 =	rddreg [dreg:$0x2];
	s6 =	simm.s32 $0x0;
	s18 =	simm.s32 $0x18700  }
0x4: {  	s19 =	simm.s32 $0x4;
	s20 =	simm.s32 $0x1;
	s21 =	simm.s32 $0x1C700  }
0x5: {  	s22 =	simm.s32 $0x1D700;
	s23 =	simm.s32 $0x2;
	s24 =	simm.s32 $0x3  }
0x6: {  	s0 =	sand.u32 $0x1, s0;
	s1 =	sshll.u32 s10, $0x1;
	[smem:$0x7FF] =	sst s6  }
0x7: {  	s10 =	smul.u32 $0x1A, s10;
	s2 =	sor.u32 s0, s1;
	_ =	strace $0x80000047  }
0x8: {  	s8 =	ssub.s32 $0x2, s0;
	s29 =	smul.u32 $0xD, s0;
	s0 =	ssub.s32 s0, s1  }
0x9: {  	s3 =	smul.u32 $0xD, s2;
	s9 =	sshrl.u32 s8, $0x1;
	s16 =	sand.u32 $0x3, s2  }
0xa: {  	s0 =	sand.u32 $0x3, s0;
	s15 =	ssub.s32 s8, s9;
	s17 =	sadd.s32 s29, s10  }
0xb: {  	s10 =	sadd.s32 $0x2000, s5;
	s7 =	sshrl.u32 s3, $0x4;
	s30 =	sshll.u32 s3, $0x7  }
0xc: {  	s11 =	sand.u32 $0x70, s3;
	s31 =	sand.u32 $0x3F0, s17;
	s13 =	sadd.s32 $0x1, s7  }
0xd: {  	s9 =	sand.u32 $0xC000, s30;
	s11 =	sadd.s32 s12, s11;
	s17 =	ssub.s32 s31, s17  }
0xe: {  	s14 =	sshll.u32 s13, $0x4;
	s8 =	sadd.s32 s9, s11;
	s9 =	sadd.s32 $0x1000, s5  }
0xf: {  	s11 =	sadd.s32 $0x3000, s5;
	s13 =	sshll.u32 s13, $0xB;
	s17 =	sadd.s32 $0x10, s17  }
0x10: {  	s25 =	ssub.s32 s14, s3;
	s13 =	sand.u32 $0xFFFC000, s13;
	s14 =	sand.u32 $0x70, s14  }
0x11: {  	p1 =	sgt.s32 s17, $0x1;
	p0 =	slt.s32 s25, $0xD;
	s7 =	smov.u32 s25  }
.Ltmp0:
0x12: {  	s12 =	sadd.s32 s12, s14;
	s17 =	simm.s32 @!p1 $0x1;
	(pc) =	sbr.rel .LBB2_1-.Ltmp0, $4  }
0x13: {  	s14 =	smax.u32 s15, $0x1;
	s15 =	smul.u32 $0xFFFFFD44, s0;
	p1 =	seq.s32 s16, $0x0  }
0x14: {  	p2 =	slt.s32 s25, $0x1;
	s16 =	simm.s32 $0x80;
	p3 =	sgt.s32 s25, $0xC  }
0x15: {  	s7 =	simm.s32 @!p0 $0xD;
	p0 =	sgt.s32 s25, $0x0;
	s12 =	sadd.s32 s13, s12  }
0x16: {  	s13 =	smin.u32 s17, $0xD;
	s17 =	simm.s32 $0x400;
	s25 =	simm.s32 $0x0  }
.LBB2_27:
0x17: {  	s25 =	sadd.s32 $0x1, s25  }
0x18: {  	_ =	swait.ge [sflag:s23], $0x1000;
	p4 =	sne.s32 s25, s14  }
.Ltmp1:
0x19: {  	[sflag:s23] =	ssyncset.done $0x0;
	(pc) =	sbr.rel @!p4 .LBB2_28-.Ltmp1, $4  }
0x1a: {  	[sflag:s23] =	ssyncadd.s32 $0xFFFFF000  }
0x1b: {  	_ =	swait.ge [sflag:s24], $0x1000  }
0x1c: {  	[sflag:s24] =	ssyncset.done $0x0  }
0x1d: {  	[sflag:s24] =	ssyncadd.s32 $0xFFFFF000  }
.LBB2_1:
.Ltmp2:
0x1e: {  	(pc) =	sbr.rel @p1 .LBB2_5-.Ltmp2, $2  }
0x1f: {  	_ =	sdelay $0x2  }
0x20: {  	s0 =	smov.u32 s2  }
0x21: {  	s0 =	sadd.s32 $0xFFFFFFFF, s6  }
0x22: {  	p4 =	sne.s32 s15, s0  }
.Ltmp3:
0x23: {  	_ = 	snop;
	(pc) =	sbr.rel @!p4 .LBB2_4-.Ltmp3, $2  }
0x24: {  	_ =	sdelay $0x2  }
0x25: {  	s26 =	smul.u32 $0x3, s2;
	s1 =	simm.s32 $0x0  }
.LBB2_3:
0x26: {  	s0 =	sadd.s32 $0xFFFFFFFF, s0  }
0x27: {  	p4 =	sne.s32 s15, s0  }
.Ltmp4:
0x28: {  	s26 =	sadd.s32 s1, s26;
	s1 =	sadd.s32 $0x1, s1;
	(pc) =	sbr.rel @p4 .LBB2_3-.Ltmp4, $2  }
0x29: {  	_ =	sdelay $0x2  }
0x2a: {  	s26 =	smul.u32 $0x3, s26  }
.LBB2_4:
0x2b: {  	s0 =	sxor.u32 $0xFFFFFFFF, s0  }
0x2c: {  	s0 =	sadd.s32 s26, s0  }
.LBB2_5:
0x2d: {  	v0 =	vmov s0  }
0x2e: {  	v0 =	vcvt.s32.f32 v0;
	_ =	sdelay $0x1  }
0x2f: {  	v0 =	vbroadcast v0, $0x0;
	_ =	sdelay $0x1  }
.Ltmp5:
0x30: {  	[tilespmem:$0x1C700] =	vst v0;
	(pc) =	sbr.rel @p2 .LBB2_17-.Ltmp5, $4  }
0x31: {  	[tilespmem:s18], [sflag:$0x4] =	stream.strided.gather [hbm4b:s8+s16], $0x4000, s17, s16, $0x38;
	[tilespmem:$0x1E700] =	vst v63  }
0x32: {  	_ =	swait.ge [sflag:s19], $0x4000  }
0x33: {  	[sflag:s19] =	ssyncset.done $0x0  }
0x34: {  	[sflag:s19] =	ssyncadd.s32 $0xFFFFC000  }
0x35: {  	s26 =	simm.s32 $0x0;
	p4 =	por $0x0, $0x0  }
.LBB2_7:
0x36: {  	s0 =	sadd.s32 s3, s26  }
0x37: {  	s28 =	sshrl.u32 s0, $0x4;
	s1 =	sshrl.u32 s0, $0x3  }
0x38: {  	s29 =	sand.u32 $0x1, s1;
	s1 =	smul.u32 $0x187000, s28  }
0x39: {  	s31 =	smul.u32 $0xC3800, s29  }
0x3a: {  	s0 =	sshll.u32 s0, $0x7  }
0x3b: {  	s30 =	sand.u32 $0x380, s0;
	s1 =	sadd.s32 s1, s31  }
0x3c: {  	s0 =	sor.u32 s30, s1  }
0x3d: {  	s0 =	sshrl.u32 s0, $0x3  }
0x3e: {  	s0 =	sadd.s32 s4, s0  }
0x3f: {  	[tilespmem:s6], [sflag:$0x1] =	stream.strided.gather [hbm4b:s0+s16], $0x18700, s17, s16, $0x38;
	[tilespmem:$0x1E700] =	vst v63  }
0x40: {  	_ =	swait.ge [sflag:s20], $0x18700  }
0x41: {  	[sflag:s20] =	ssyncset.done $0x0  }
0x42: {  	s0 =	simm.s32 @p4 $0x2;
	[sflag:s20] =	ssyncadd.s32 $0xFFFE7900  }
0x43: {  	_ =	swait.ge @p4 [sflag:s0], $0x1000  }
0x44: {  	[sflag:s0] =	ssyncset.done @p4 $0x0  }
0x45: {  	s1 =	simm.s32 $0x18740;
	[sflag:s0] =	ssyncadd.s32 @p4 $0xFFFFF000  }
0x46: {  	v0 =	vld [tilespmem:s1+$0x30]  }
0x47: {  	v1 =	vld [tilespmem:s1+$0xFFFFFFD0]  }
0x48: {  	v2 =	vld [tilespmem:s1+$0xFFFFFFE0]  }
0x49: {  	v3 =	vld [tilespmem:s1+$0xFFFFFFF0]  }
0x4a: {  	v6 =	vld [tilespmem:s1+$0x0]  }
0x4b: {  	v7 =	vld [tilespmem:s1+$0x10]  }
0x4c: {  	v8 =	vld [tilespmem:s1+$0x20]  }
0x4d: {  	v9 =	vld [tilespmem:s1+$0xFFFFFFC0]  }
0x4e: {  	v10 =	vld.idx.msk [tilespmem:v0+s6+$0x0], $0xffff  }
0x4f: {  	v11 =	vld.idx.msk [tilespmem:v1+s6+$0x0], $0xffff  }
0x50: {  	v5 =	vld.idx.msk [tilespmem:v2+s6+$0x0], $0xffff  }
0x51: {  	v4 =	vld.idx.msk [tilespmem:v3+s6+$0x0], $0xffff  }
0x52: {  	v3 =	vld.idx.msk [tilespmem:v6+s6+$0x0], $0xffff  }
0x53: {  	s31 =	simm.s32 $0x1C740;
	v1 =	vld.idx.msk [tilespmem:v7+s6+$0x0], $0xffff  }
0x54: {  	v0 =	vld.idx.msk [tilespmem:v8+s6+$0x0], $0xffff;
	[tilespmem:s31+$0x30] =	vst v10  }
0x55: {  	s0 =	simm.s32 $0x187C0;
	s1 =	simm.s32 $0x0;
	v2 =	vld.idx.msk [tilespmem:v9+s6+$0x0], $0xffff;
	[tilespmem:s31+$0xFFFFFFD0] =	vst v11  }
.LBB2_8:
0x56: {  	v6 =	vld [tilespmem:s0+$0x30];
	s1 =	sadd.s32 $0x8, s1;
	[tilespmem:s31+$0xFFFFFFE0] =	vst v5  }
0x57: {  	v5 =	vld [tilespmem:s0+$0xFFFFFFD0];
	p5 =	slt.u32 s1, $0xF8;
	[tilespmem:s31+$0xFFFFFFF0] =	vst v4  }
0x58: {  	v4 =	vld [tilespmem:s0+$0xFFFFFFE0];
	[tilespmem:s31+$0x0] =	vst v3  }
0x59: {  	v3 =	vld [tilespmem:s0+$0xFFFFFFF0];
	[tilespmem:s31+$0x10] =	vst v1  }
0x5a: {  	v1 =	vld [tilespmem:s0+$0x0];
	[tilespmem:s31+$0x20] =	vst v0  }
0x5b: {  	v0 =	vld [tilespmem:s0+$0x10];
	[tilespmem:s31+$0xFFFFFFC0] =	vst v2  }
0x5c: {  	v2 =	vld [tilespmem:s0+$0x20]  }
0x5d: {  	v7 =	vld [tilespmem:s0+$0xFFFFFFC0]  }
0x5e: {  	v6 =	vld.idx.msk [tilespmem:v6+s6+$0x0], $0xffff  }
0x5f: {  	v8 =	vld.idx.msk [tilespmem:v5+s6+$0x0], $0xffff  }
0x60: {  	v5 =	vld.idx.msk [tilespmem:v4+s6+$0x0], $0xffff  }
.Ltmp6:
0x61: {  	v4 =	vld.idx.msk [tilespmem:v3+s6+$0x0], $0xffff;
	(pc) =	sbr.rel @p5 .LBB2_8-.Ltmp6, $4  }
0x62: {  	v3 =	vld.idx.msk [tilespmem:v1+s6+$0x0], $0xffff  }
0x63: {  	s31 =	sadd.s32 $0x80, s31;
	v1 =	vld.idx.msk [tilespmem:v0+s6+$0x0], $0xffff  }
0x64: {  	v0 =	vld.idx.msk [tilespmem:v2+s6+$0x0], $0xffff;
	[tilespmem:s31+$0x30] =	vst v6  }
0x65: {  	s0 =	sadd.s32 $0x80, s0;
	v2 =	vld.idx.msk [tilespmem:v7+s6+$0x0], $0xffff;
	[tilespmem:s31+$0xFFFFFFD0] =	vst v8  }
0x66: {  	[tilespmem:s31+$0xFFFFFFE0] =	vst v5  }
0x67: {  	[tilespmem:s31+$0xFFFFFFF0] =	vst v4;
	s0 =	sshll.u32 s28, $0x12;
	s1 =	sshll.u32 s29, $0x11  }
0x68: {  	[tilespmem:s31+$0x0] =	vst v3;
	s0 =	sor.u32 s0, s1  }
0x69: {  	[tilespmem:s31+$0x10] =	vst v1;
	s0 =	sor.u32 s30, s0  }
0x6a: {  	[tilespmem:s31+$0x20] =	vst v0;
	s28 =	sshrl.u32 s0, $0x3  }
0x6b: {  	[tilespmem:s31+$0xFFFFFFC0] =	vst v2;
	s0 =	sadd.s32 s5, s28  }
0x6c: {  	[hbm4b:s0+s16] =	stream.strided.scatter [tilespmem:s21], [sflag:$0x2], $0x1000, s17, s16, $0x38;
	[tilespmem:$0x1E700] =	vst v63  }
0x6d: {  	s0 =	simm.s32 @p4 $0x3  }
0x6e: {  	_ =	swait.ge @p4 [sflag:s0], $0x1000  }
0x6f: {  	[sflag:s0] =	ssyncset.done @p4 $0x0  }
0x70: {  	s31 =	simm.s32 $0x19770;
	[sflag:s0] =	ssyncadd.s32 @p4 $0xFFFFF000  }
0x71: {  	v0 =	vld [tilespmem:s31+$0x0]  }
0x72: {  	v1 =	vld [tilespmem:s31+$0xFFFFFFA0]  }
0x73: {  	v2 =	vld [tilespmem:s31+$0xFFFFFFB0]  }
0x74: {  	v3 =	vld [tilespmem:s31+$0xFFFFFFC0]  }
0x75: {  	v4 =	vld [tilespmem:s31+$0xFFFFFFD0]  }
0x76: {  	v6 =	vld [tilespmem:s31+$0xFFFFFFE0]  }
0x77: {  	v7 =	vld [tilespmem:s31+$0xFFFFFFF0]  }
0x78: {  	v8 =	vld [tilespmem:s31+$0xFFFFFF90]  }
0x79: {  	v9 =	vld.idx.msk [tilespmem:v0+s6+$0x0], $0xffff  }
0x7a: {  	v10 =	vld.idx.msk [tilespmem:v1+s6+$0x0], $0xffff  }
0x7b: {  	v5 =	vld.idx.msk [tilespmem:v2+s6+$0x0], $0xffff  }
0x7c: {  	v3 =	vld.idx.msk [tilespmem:v3+s6+$0x0], $0xffff  }
0x7d: {  	v0 =	vld.idx.msk [tilespmem:v4+s6+$0x0], $0xffff  }
0x7e: {  	s29 =	simm.s32 $0x1D740;
	v1 =	vld.idx.msk [tilespmem:v6+s6+$0x0], $0xffff  }
0x7f: {  	v2 =	vld.idx.msk [tilespmem:v7+s6+$0x0], $0xffff;
	[tilespmem:s29+$0x30] =	vst v9  }
0x80: {  	s1 =	simm.s32 $0x0;
	s0 =	simm.s32 $0x197F0;
	v4 =	vld.idx.msk [tilespmem:v8+s6+$0x0], $0xffff;
	[tilespmem:s29+$0xFFFFFFD0] =	vst v10  }
.LBB2_10:
0x81: {  	v6 =	vld [tilespmem:s0+$0x0];
	s1 =	sadd.s32 $0x8, s1;
	[tilespmem:s29+$0xFFFFFFE0] =	vst v5  }
0x82: {  	v5 =	vld [tilespmem:s0+$0xFFFFFFA0];
	p4 =	slt.u32 s1, $0xF8;
	[tilespmem:s29+$0xFFFFFFF0] =	vst v3  }
0x83: {  	v3 =	vld [tilespmem:s0+$0xFFFFFFB0];
	[tilespmem:s29+$0x0] =	vst v0  }
0x84: {  	v0 =	vld [tilespmem:s0+$0xFFFFFFC0];
	[tilespmem:s29+$0x10] =	vst v1  }
0x85: {  	v1 =	vld [tilespmem:s0+$0xFFFFFFD0];
	[tilespmem:s29+$0x20] =	vst v2  }
0x86: {  	v2 =	vld [tilespmem:s0+$0xFFFFFFE0];
	[tilespmem:s29+$0xFFFFFFC0] =	vst v4  }
0x87: {  	v4 =	vld [tilespmem:s0+$0xFFFFFFF0]  }
0x88: {  	v7 =	vld [tilespmem:s0+$0xFFFFFF90]  }
0x89: {  	v6 =	vld.idx.msk [tilespmem:v6+s6+$0x0], $0xffff  }
0x8a: {  	v8 =	vld.idx.msk [tilespmem:v5+s6+$0x0], $0xffff  }
0x8b: {  	v5 =	vld.idx.msk [tilespmem:v3+s6+$0x0], $0xffff  }
.Ltmp7:
0x8c: {  	v3 =	vld.idx.msk [tilespmem:v0+s6+$0x0], $0xffff;
	(pc) =	sbr.rel @p4 .LBB2_10-.Ltmp7, $4  }
0x8d: {  	v0 =	vld.idx.msk [tilespmem:v1+s6+$0x0], $0xffff  }
0x8e: {  	s29 =	sadd.s32 $0x80, s29;
	v1 =	vld.idx.msk [tilespmem:v2+s6+$0x0], $0xffff  }
0x8f: {  	v2 =	vld.idx.msk [tilespmem:v4+s6+$0x0], $0xffff;
	[tilespmem:s29+$0x30] =	vst v6  }
0x90: {  	s0 =	sadd.s32 $0x80, s0;
	v4 =	vld.idx.msk [tilespmem:v7+s6+$0x0], $0xffff;
	[tilespmem:s29+$0xFFFFFFD0] =	vst v8  }
0x91: {  	[tilespmem:s29+$0xFFFFFFE0] =	vst v5  }
0x92: {  	[tilespmem:s29+$0xFFFFFFF0] =	vst v3  }
0x93: {  	[tilespmem:s29+$0x0] =	vst v0  }
0x94: {  	[tilespmem:s29+$0x10] =	vst v1  }
0x95: {  	[tilespmem:s29+$0x20] =	vst v2  }
0x96: {  	s0 =	sadd.s32 s28, s9;
	[tilespmem:s29+$0xFFFFFFC0] =	vst v4  }
0x97: {  	[hbm4b:s0+s16] =	stream.strided.scatter [tilespmem:s22], [sflag:$0x3], $0x1000, s17, s16, $0x38;
	[tilespmem:$0x1E700] =	vst v63  }
0x98: {  	_ =	swait.ge [sflag:s23], $0x1000  }
0x99: {  	[sflag:s23] =	ssyncset.done $0x0  }
0x9a: {  	s31 =	simm.s32 $0x1A770;
	[sflag:s23] =	ssyncadd.s32 $0xFFFFF000  }
0x9b: {  	v0 =	vld [tilespmem:s31+$0x0]  }
0x9c: {  	v1 =	vld [tilespmem:s31+$0xFFFFFFA0]  }
0x9d: {  	v2 =	vld [tilespmem:s31+$0xFFFFFFB0]  }
0x9e: {  	v3 =	vld [tilespmem:s31+$0xFFFFFFC0]  }
0x9f: {  	v4 =	vld [tilespmem:s31+$0xFFFFFFD0]  }
0xa0: {  	v6 =	vld [tilespmem:s31+$0xFFFFFFE0]  }
0xa1: {  	v7 =	vld [tilespmem:s31+$0xFFFFFFF0]  }
0xa2: {  	v8 =	vld [tilespmem:s31+$0xFFFFFF90]  }
0xa3: {  	v9 =	vld.idx.msk [tilespmem:v0+s6+$0x0], $0xffff  }
0xa4: {  	v10 =	vld.idx.msk [tilespmem:v1+s6+$0x0], $0xffff  }
0xa5: {  	v5 =	vld.idx.msk [tilespmem:v2+s6+$0x0], $0xffff  }
0xa6: {  	v3 =	vld.idx.msk [tilespmem:v3+s6+$0x0], $0xffff  }
0xa7: {  	v0 =	vld.idx.msk [tilespmem:v4+s6+$0x0], $0xffff  }
0xa8: {  	s29 =	simm.s32 $0x1C740;
	v1 =	vld.idx.msk [tilespmem:v6+s6+$0x0], $0xffff  }
0xa9: {  	v2 =	vld.idx.msk [tilespmem:v7+s6+$0x0], $0xffff;
	[tilespmem:s29+$0x30] =	vst v9  }
0xaa: {  	s1 =	simm.s32 $0x0;
	s0 =	simm.s32 $0x1A7F0;
	v4 =	vld.idx.msk [tilespmem:v8+s6+$0x0], $0xffff;
	[tilespmem:s29+$0xFFFFFFD0] =	vst v10  }
.LBB2_12:
0xab: {  	v6 =	vld [tilespmem:s0+$0x0];
	s1 =	sadd.s32 $0x8, s1;
	[tilespmem:s29+$0xFFFFFFE0] =	vst v5  }
0xac: {  	v5 =	vld [tilespmem:s0+$0xFFFFFFA0];
	p4 =	slt.u32 s1, $0xF8;
	[tilespmem:s29+$0xFFFFFFF0] =	vst v3  }
0xad: {  	v3 =	vld [tilespmem:s0+$0xFFFFFFB0];
	[tilespmem:s29+$0x0] =	vst v0  }
0xae: {  	v0 =	vld [tilespmem:s0+$0xFFFFFFC0];
	[tilespmem:s29+$0x10] =	vst v1  }
0xaf: {  	v1 =	vld [tilespmem:s0+$0xFFFFFFD0];
	[tilespmem:s29+$0x20] =	vst v2  }
0xb0: {  	v2 =	vld [tilespmem:s0+$0xFFFFFFE0];
	[tilespmem:s29+$0xFFFFFFC0] =	vst v4  }
0xb1: {  	v4 =	vld [tilespmem:s0+$0xFFFFFFF0]  }
0xb2: {  	v7 =	vld [tilespmem:s0+$0xFFFFFF90]  }
0xb3: {  	v6 =	vld.idx.msk [tilespmem:v6+s6+$0x0], $0xffff  }
0xb4: {  	v8 =	vld.idx.msk [tilespmem:v5+s6+$0x0], $0xffff  }
0xb5: {  	v5 =	vld.idx.msk [tilespmem:v3+s6+$0x0], $0xffff  }
.Ltmp8:
0xb6: {  	v3 =	vld.idx.msk [tilespmem:v0+s6+$0x0], $0xffff;
	(pc) =	sbr.rel @p4 .LBB2_12-.Ltmp8, $4  }
0xb7: {  	v0 =	vld.idx.msk [tilespmem:v1+s6+$0x0], $0xffff  }
0xb8: {  	s29 =	sadd.s32 $0x80, s29;
	v1 =	vld.idx.msk [tilespmem:v2+s6+$0x0], $0xffff  }
0xb9: {  	v2 =	vld.idx.msk [tilespmem:v4+s6+$0x0], $0xffff;
	[tilespmem:s29+$0x30] =	vst v6  }
0xba: {  	s0 =	sadd.s32 $0x80, s0;
	v4 =	vld.idx.msk [tilespmem:v7+s6+$0x0], $0xffff;
	[tilespmem:s29+$0xFFFFFFD0] =	vst v8  }
0xbb: {  	[tilespmem:s29+$0xFFFFFFE0] =	vst v5  }
0xbc: {  	[tilespmem:s29+$0xFFFFFFF0] =	vst v3  }
0xbd: {  	[tilespmem:s29+$0x0] =	vst v0  }
0xbe: {  	[tilespmem:s29+$0x10] =	vst v1  }
0xbf: {  	[tilespmem:s29+$0x20] =	vst v2  }
0xc0: {  	s0 =	sadd.s32 s28, s10;
	[tilespmem:s29+$0xFFFFFFC0] =	vst v4  }
0xc1: {  	[hbm4b:s0+s16] =	stream.strided.scatter [tilespmem:s21], [sflag:$0x2], $0x1000, s17, s16, $0x38;
	[tilespmem:$0x1E700] =	vst v63  }
0xc2: {  	_ =	swait.ge [sflag:s24], $0x1000  }
0xc3: {  	[sflag:s24] =	ssyncset.done $0x0  }
0xc4: {  	s31 =	simm.s32 $0x1B770;
	[sflag:s24] =	ssyncadd.s32 $0xFFFFF000  }
0xc5: {  	v0 =	vld [tilespmem:s31+$0x0]  }
0xc6: {  	v1 =	vld [tilespmem:s31+$0xFFFFFFA0]  }
0xc7: {  	v2 =	vld [tilespmem:s31+$0xFFFFFFB0]  }
0xc8: {  	v3 =	vld [tilespmem:s31+$0xFFFFFFC0]  }
0xc9: {  	v4 =	vld [tilespmem:s31+$0xFFFFFFD0]  }
0xca: {  	v6 =	vld [tilespmem:s31+$0xFFFFFFE0]  }
0xcb: {  	v7 =	vld [tilespmem:s31+$0xFFFFFFF0]  }
0xcc: {  	v8 =	vld [tilespmem:s31+$0xFFFFFF90]  }
0xcd: {  	v9 =	vld.idx.msk [tilespmem:v0+s6+$0x0], $0xffff  }
0xce: {  	v10 =	vld.idx.msk [tilespmem:v1+s6+$0x0], $0xffff  }
0xcf: {  	v5 =	vld.idx.msk [tilespmem:v2+s6+$0x0], $0xffff  }
0xd0: {  	v3 =	vld.idx.msk [tilespmem:v3+s6+$0x0], $0xffff  }
0xd1: {  	v0 =	vld.idx.msk [tilespmem:v4+s6+$0x0], $0xffff  }
0xd2: {  	s29 =	simm.s32 $0x1D740;
	v1 =	vld.idx.msk [tilespmem:v6+s6+$0x0], $0xffff  }
0xd3: {  	v2 =	vld.idx.msk [tilespmem:v7+s6+$0x0], $0xffff;
	[tilespmem:s29+$0x30] =	vst v9  }
0xd4: {  	s1 =	simm.s32 $0x0;
	s0 =	simm.s32 $0x1B7F0;
	v4 =	vld.idx.msk [tilespmem:v8+s6+$0x0], $0xffff;
	[tilespmem:s29+$0xFFFFFFD0] =	vst v10  }
.LBB2_14:
0xd5: {  	v6 =	vld [tilespmem:s0+$0x0];
	s1 =	sadd.s32 $0x8, s1;
	[tilespmem:s29+$0xFFFFFFE0] =	vst v5  }
0xd6: {  	v5 =	vld [tilespmem:s0+$0xFFFFFFA0];
	p4 =	slt.u32 s1, $0xF8;
	[tilespmem:s29+$0xFFFFFFF0] =	vst v3  }
0xd7: {  	v3 =	vld [tilespmem:s0+$0xFFFFFFB0];
	[tilespmem:s29+$0x0] =	vst v0  }
0xd8: {  	v0 =	vld [tilespmem:s0+$0xFFFFFFC0];
	[tilespmem:s29+$0x10] =	vst v1  }
0xd9: {  	v1 =	vld [tilespmem:s0+$0xFFFFFFD0];
	[tilespmem:s29+$0x20] =	vst v2  }
0xda: {  	v2 =	vld [tilespmem:s0+$0xFFFFFFE0];
	[tilespmem:s29+$0xFFFFFFC0] =	vst v4  }
0xdb: {  	v4 =	vld [tilespmem:s0+$0xFFFFFFF0]  }
0xdc: {  	v7 =	vld [tilespmem:s0+$0xFFFFFF90]  }
0xdd: {  	v6 =	vld.idx.msk [tilespmem:v6+s6+$0x0], $0xffff  }
0xde: {  	v8 =	vld.idx.msk [tilespmem:v5+s6+$0x0], $0xffff  }
0xdf: {  	v5 =	vld.idx.msk [tilespmem:v3+s6+$0x0], $0xffff  }
.Ltmp9:
0xe0: {  	v3 =	vld.idx.msk [tilespmem:v0+s6+$0x0], $0xffff;
	(pc) =	sbr.rel @p4 .LBB2_14-.Ltmp9, $4  }
0xe1: {  	v0 =	vld.idx.msk [tilespmem:v1+s6+$0x0], $0xffff  }
0xe2: {  	s29 =	sadd.s32 $0x80, s29;
	v1 =	vld.idx.msk [tilespmem:v2+s6+$0x0], $0xffff  }
0xe3: {  	v2 =	vld.idx.msk [tilespmem:v4+s6+$0x0], $0xffff;
	[tilespmem:s29+$0x30] =	vst v6  }
0xe4: {  	s0 =	sadd.s32 $0x80, s0;
	v4 =	vld.idx.msk [tilespmem:v7+s6+$0x0], $0xffff;
	[tilespmem:s29+$0xFFFFFFD0] =	vst v8  }
0xe5: {  	[tilespmem:s29+$0xFFFFFFE0] =	vst v5;
	s26 =	sadd.s32 $0x1, s26  }
0xe6: {  	[tilespmem:s29+$0xFFFFFFF0] =	vst v3;
	p5 =	sne.s32 s26, s13  }
.Ltmp10:
0xe7: {  	[tilespmem:s29+$0x0] =	vst v0;
	(pc) =	sbr.rel @p5 .LBB2_7-.Ltmp10, $4  }
0xe8: {  	[tilespmem:s29+$0x10] =	vst v1  }
0xe9: {  	[tilespmem:s29+$0x20] =	vst v2  }
0xea: {  	s0 =	sadd.s32 s28, s11;
	p4 =	por $0x1, $0x1;
	[tilespmem:s29+$0xFFFFFFC0] =	vst v4  }
0xeb: {  	[hbm4b:s0+s16] =	stream.strided.scatter [tilespmem:s22], [sflag:$0x3], $0x1000, s17, s16, $0x38;
	[tilespmem:$0x1E700] =	vst v63  }
.Ltmp11:
0xec: {  	(pc) =	sbr.rel @p3 .LBB2_27-.Ltmp11, $1  }
0xed: {  	_ =	sdelay $0x3  }
.LBB2_17:
0xee: {  	[tilespmem:s18], [sflag:$0x4] =	stream.strided.gather [hbm4b:s12+s16], $0x4000, s17, s16, $0x38;
	[tilespmem:$0x1E700] =	vst v63  }
0xef: {  	_ =	swait.ge [sflag:s19], $0x4000  }
0xf0: {  	[sflag:s19] =	ssyncset.done $0x0  }
0xf1: {  	p4 =	por p0, p0;
	s26 =	smov.u32 s7;
	[sflag:s19] =	ssyncadd.s32 $0xFFFFC000  }
.LBB2_18:
0xf2: {  	s0 =	sadd.s32 s3, s26  }
0xf3: {  	s1 =	sshra.s32 s0, $0x1F  }
0xf4: {  	s1 =	sshrl.u32 s1, $0x1C  }
0xf5: {  	s1 =	sadd.s32 s1, s0  }
0xf6: {  	s28 =	sand.u32 $0xFFFFFFF0, s1  }
0xf7: {  	p5 =	slt.s32 s0, $0x1;
	p6 =	sne.s32 s0, s28  }
0xf8: {  	p5 =	por !p5, !p6  }
0xf9: {  	s28 =	simm.s32 $0x1;
	p5 =	por !p5, !p5  }
0xfa: {  	s1 =	sshra.s32 s1, $0x4;
	s28 =	simm.s32 @!p5 $0x0  }
0xfb: {  	s28 =	ssub.s32 s1, s28;
	s1 =	sshrl.u32 s0, $0x3  }
0xfc: {  	s29 =	sand.u32 $0x1, s1;
	s1 =	smul.u32 $0x187000, s28  }
0xfd: {  	s0 =	sshll.u32 s0, $0x7;
	s31 =	smul.u32 $0xC3800, s29  }
0xfe: {  	s0 =	sadd.s32 $0x800, s0  }
0xff: {  	s30 =	sand.u32 $0x380, s0;
	s1 =	sadd.s32 s31, s1  }
0x100: {  	s0 =	sor.u32 s30, s1  }
0x101: {  	s0 =	sshrl.u32 s0, $0x3  }
0x102: {  	s0 =	sadd.s32 s4, s0  }
0x103: {  	[tilespmem:s6], [sflag:$0x1] =	stream.strided.gather [hbm4b:s0+s16], $0x18700, s17, s16, $0x38;
	[tilespmem:$0x1E700] =	vst v63  }
0x104: {  	_ =	swait.ge [sflag:s20], $0x18700  }
0x105: {  	[sflag:s20] =	ssyncset.done $0x0  }
0x106: {  	s0 =	simm.s32 @p4 $0x2;
	[sflag:s20] =	ssyncadd.s32 $0xFFFE7900  }
0x107: {  	_ =	swait.ge @p4 [sflag:s0], $0x1000  }
0x108: {  	[sflag:s0] =	ssyncset.done @p4 $0x0  }
0x109: {  	s1 =	simm.s32 $0x18740;
	[sflag:s0] =	ssyncadd.s32 @p4 $0xFFFFF000  }
0x10a: {  	v0 =	vld [tilespmem:s1+$0x30]  }
0x10b: {  	v1 =	vld [tilespmem:s1+$0xFFFFFFD0]  }
0x10c: {  	v2 =	vld [tilespmem:s1+$0xFFFFFFE0]  }
0x10d: {  	v3 =	vld [tilespmem:s1+$0xFFFFFFF0]  }
0x10e: {  	v6 =	vld [tilespmem:s1+$0x0]  }
0x10f: {  	v7 =	vld [tilespmem:s1+$0x10]  }
0x110: {  	v8 =	vld [tilespmem:s1+$0x20]  }
0x111: {  	v9 =	vld [tilespmem:s1+$0xFFFFFFC0]  }
0x112: {  	v10 =	vld.idx.msk [tilespmem:v0+s6+$0x0], $0xffff  }
0x113: {  	v11 =	vld.idx.msk [tilespmem:v1+s6+$0x0], $0xffff  }
0x114: {  	v5 =	vld.idx.msk [tilespmem:v2+s6+$0x0], $0xffff  }
0x115: {  	v4 =	vld.idx.msk [tilespmem:v3+s6+$0x0], $0xffff  }
0x116: {  	v3 =	vld.idx.msk [tilespmem:v6+s6+$0x0], $0xffff  }
0x117: {  	s31 =	simm.s32 $0x1C740;
	v1 =	vld.idx.msk [tilespmem:v7+s6+$0x0], $0xffff  }
0x118: {  	v0 =	vld.idx.msk [tilespmem:v8+s6+$0x0], $0xffff;
	[tilespmem:s31+$0x30] =	vst v10  }
0x119: {  	s0 =	simm.s32 $0x187C0;
	s1 =	simm.s32 $0x0;
	v2 =	vld.idx.msk [tilespmem:v9+s6+$0x0], $0xffff;
	[tilespmem:s31+$0xFFFFFFD0] =	vst v11  }
.LBB2_19:
0x11a: {  	v6 =	vld [tilespmem:s0+$0x30];
	s1 =	sadd.s32 $0x8, s1;
	[tilespmem:s31+$0xFFFFFFE0] =	vst v5  }
0x11b: {  	v5 =	vld [tilespmem:s0+$0xFFFFFFD0];
	p5 =	slt.u32 s1, $0xF8;
	[tilespmem:s31+$0xFFFFFFF0] =	vst v4  }
0x11c: {  	v4 =	vld [tilespmem:s0+$0xFFFFFFE0];
	[tilespmem:s31+$0x0] =	vst v3  }
0x11d: {  	v3 =	vld [tilespmem:s0+$0xFFFFFFF0];
	[tilespmem:s31+$0x10] =	vst v1  }
0x11e: {  	v1 =	vld [tilespmem:s0+$0x0];
	[tilespmem:s31+$0x20] =	vst v0  }
0x11f: {  	v0 =	vld [tilespmem:s0+$0x10];
	[tilespmem:s31+$0xFFFFFFC0] =	vst v2  }
0x120: {  	v2 =	vld [tilespmem:s0+$0x20]  }
0x121: {  	v7 =	vld [tilespmem:s0+$0xFFFFFFC0]  }
0x122: {  	v6 =	vld.idx.msk [tilespmem:v6+s6+$0x0], $0xffff  }
0x123: {  	v8 =	vld.idx.msk [tilespmem:v5+s6+$0x0], $0xffff  }
0x124: {  	v5 =	vld.idx.msk [tilespmem:v4+s6+$0x0], $0xffff  }
.Ltmp12:
0x125: {  	v4 =	vld.idx.msk [tilespmem:v3+s6+$0x0], $0xffff;
	(pc) =	sbr.rel @p5 .LBB2_19-.Ltmp12, $4  }
0x126: {  	v3 =	vld.idx.msk [tilespmem:v1+s6+$0x0], $0xffff  }
0x127: {  	s31 =	sadd.s32 $0x80, s31;
	v1 =	vld.idx.msk [tilespmem:v0+s6+$0x0], $0xffff  }
0x128: {  	v0 =	vld.idx.msk [tilespmem:v2+s6+$0x0], $0xffff;
	[tilespmem:s31+$0x30] =	vst v6  }
0x129: {  	s0 =	sadd.s32 $0x80, s0;
	v2 =	vld.idx.msk [tilespmem:v7+s6+$0x0], $0xffff;
	[tilespmem:s31+$0xFFFFFFD0] =	vst v8  }
0x12a: {  	[tilespmem:s31+$0xFFFFFFE0] =	vst v5  }
0x12b: {  	[tilespmem:s31+$0xFFFFFFF0] =	vst v4;
	s0 =	sshll.u32 s28, $0x12;
	s1 =	sshll.u32 s29, $0x11  }
0x12c: {  	[tilespmem:s31+$0x0] =	vst v3;
	s0 =	sor.u32 s1, s0  }
0x12d: {  	[tilespmem:s31+$0x10] =	vst v1;
	s0 =	sor.u32 s30, s0  }
0x12e: {  	[tilespmem:s31+$0x20] =	vst v0;
	s28 =	sshrl.u32 s0, $0x3  }
0x12f: {  	[tilespmem:s31+$0xFFFFFFC0] =	vst v2;
	s0 =	sadd.s32 s5, s28  }
0x130: {  	[hbm4b:s0+s16] =	stream.strided.scatter [tilespmem:s21], [sflag:$0x2], $0x1000, s17, s16, $0x38;
	[tilespmem:$0x1E700] =	vst v63  }
0x131: {  	s0 =	simm.s32 @p4 $0x3  }
0x132: {  	_ =	swait.ge @p4 [sflag:s0], $0x1000  }
0x133: {  	[sflag:s0] =	ssyncset.done @p4 $0x0  }
0x134: {  	s31 =	simm.s32 $0x19770;
	[sflag:s0] =	ssyncadd.s32 @p4 $0xFFFFF000  }
0x135: {  	v0 =	vld [tilespmem:s31+$0x0]  }
0x136: {  	v1 =	vld [tilespmem:s31+$0xFFFFFFA0]  }
0x137: {  	v2 =	vld [tilespmem:s31+$0xFFFFFFB0]  }
0x138: {  	v3 =	vld [tilespmem:s31+$0xFFFFFFC0]  }
0x139: {  	v4 =	vld [tilespmem:s31+$0xFFFFFFD0]  }
0x13a: {  	v6 =	vld [tilespmem:s31+$0xFFFFFFE0]  }
0x13b: {  	v7 =	vld [tilespmem:s31+$0xFFFFFFF0]  }
0x13c: {  	v8 =	vld [tilespmem:s31+$0xFFFFFF90]  }
0x13d: {  	v9 =	vld.idx.msk [tilespmem:v0+s6+$0x0], $0xffff  }
0x13e: {  	v10 =	vld.idx.msk [tilespmem:v1+s6+$0x0], $0xffff  }
0x13f: {  	v5 =	vld.idx.msk [tilespmem:v2+s6+$0x0], $0xffff  }
0x140: {  	v3 =	vld.idx.msk [tilespmem:v3+s6+$0x0], $0xffff  }
0x141: {  	v0 =	vld.idx.msk [tilespmem:v4+s6+$0x0], $0xffff  }
0x142: {  	s29 =	simm.s32 $0x1D740;
	v1 =	vld.idx.msk [tilespmem:v6+s6+$0x0], $0xffff  }
0x143: {  	v2 =	vld.idx.msk [tilespmem:v7+s6+$0x0], $0xffff;
	[tilespmem:s29+$0x30] =	vst v9  }
0x144: {  	s1 =	simm.s32 $0x0;
	s0 =	simm.s32 $0x197F0;
	v4 =	vld.idx.msk [tilespmem:v8+s6+$0x0], $0xffff;
	[tilespmem:s29+$0xFFFFFFD0] =	vst v10  }
.LBB2_21:
0x145: {  	v6 =	vld [tilespmem:s0+$0x0];
	s1 =	sadd.s32 $0x8, s1;
	[tilespmem:s29+$0xFFFFFFE0] =	vst v5  }
0x146: {  	v5 =	vld [tilespmem:s0+$0xFFFFFFA0];
	p4 =	slt.u32 s1, $0xF8;
	[tilespmem:s29+$0xFFFFFFF0] =	vst v3  }
0x147: {  	v3 =	vld [tilespmem:s0+$0xFFFFFFB0];
	[tilespmem:s29+$0x0] =	vst v0  }
0x148: {  	v0 =	vld [tilespmem:s0+$0xFFFFFFC0];
	[tilespmem:s29+$0x10] =	vst v1  }
0x149: {  	v1 =	vld [tilespmem:s0+$0xFFFFFFD0];
	[tilespmem:s29+$0x20] =	vst v2  }
0x14a: {  	v2 =	vld [tilespmem:s0+$0xFFFFFFE0];
	[tilespmem:s29+$0xFFFFFFC0] =	vst v4  }
0x14b: {  	v4 =	vld [tilespmem:s0+$0xFFFFFFF0]  }
0x14c: {  	v7 =	vld [tilespmem:s0+$0xFFFFFF90]  }
0x14d: {  	v6 =	vld.idx.msk [tilespmem:v6+s6+$0x0], $0xffff  }
0x14e: {  	v8 =	vld.idx.msk [tilespmem:v5+s6+$0x0], $0xffff  }
0x14f: {  	v5 =	vld.idx.msk [tilespmem:v3+s6+$0x0], $0xffff  }
.Ltmp13:
0x150: {  	v3 =	vld.idx.msk [tilespmem:v0+s6+$0x0], $0xffff;
	(pc) =	sbr.rel @p4 .LBB2_21-.Ltmp13, $4  }
0x151: {  	v0 =	vld.idx.msk [tilespmem:v1+s6+$0x0], $0xffff  }
0x152: {  	s29 =	sadd.s32 $0x80, s29;
	v1 =	vld.idx.msk [tilespmem:v2+s6+$0x0], $0xffff  }
0x153: {  	v2 =	vld.idx.msk [tilespmem:v4+s6+$0x0], $0xffff;
	[tilespmem:s29+$0x30] =	vst v6  }
0x154: {  	s0 =	sadd.s32 $0x80, s0;
	v4 =	vld.idx.msk [tilespmem:v7+s6+$0x0], $0xffff;
	[tilespmem:s29+$0xFFFFFFD0] =	vst v8  }
0x155: {  	[tilespmem:s29+$0xFFFFFFE0] =	vst v5  }
0x156: {  	[tilespmem:s29+$0xFFFFFFF0] =	vst v3  }
0x157: {  	[tilespmem:s29+$0x0] =	vst v0  }
0x158: {  	[tilespmem:s29+$0x10] =	vst v1  }
0x159: {  	[tilespmem:s29+$0x20] =	vst v2  }
0x15a: {  	s0 =	sadd.s32 s28, s9;
	[tilespmem:s29+$0xFFFFFFC0] =	vst v4  }
0x15b: {  	[hbm4b:s0+s16] =	stream.strided.scatter [tilespmem:s22], [sflag:$0x3], $0x1000, s17, s16, $0x38;
	[tilespmem:$0x1E700] =	vst v63  }
0x15c: {  	_ =	swait.ge [sflag:s23], $0x1000  }
0x15d: {  	[sflag:s23] =	ssyncset.done $0x0  }
0x15e: {  	s31 =	simm.s32 $0x1A770;
	[sflag:s23] =	ssyncadd.s32 $0xFFFFF000  }
0x15f: {  	v0 =	vld [tilespmem:s31+$0x0]  }
0x160: {  	v1 =	vld [tilespmem:s31+$0xFFFFFFA0]  }
0x161: {  	v2 =	vld [tilespmem:s31+$0xFFFFFFB0]  }
0x162: {  	v3 =	vld [tilespmem:s31+$0xFFFFFFC0]  }
0x163: {  	v4 =	vld [tilespmem:s31+$0xFFFFFFD0]  }
0x164: {  	v6 =	vld [tilespmem:s31+$0xFFFFFFE0]  }
0x165: {  	v7 =	vld [tilespmem:s31+$0xFFFFFFF0]  }
0x166: {  	v8 =	vld [tilespmem:s31+$0xFFFFFF90]  }
0x167: {  	v9 =	vld.idx.msk [tilespmem:v0+s6+$0x0], $0xffff  }
0x168: {  	v10 =	vld.idx.msk [tilespmem:v1+s6+$0x0], $0xffff  }
0x169: {  	v5 =	vld.idx.msk [tilespmem:v2+s6+$0x0], $0xffff  }
0x16a: {  	v3 =	vld.idx.msk [tilespmem:v3+s6+$0x0], $0xffff  }
0x16b: {  	v0 =	vld.idx.msk [tilespmem:v4+s6+$0x0], $0xffff  }
0x16c: {  	s29 =	simm.s32 $0x1C740;
	v1 =	vld.idx.msk [tilespmem:v6+s6+$0x0], $0xffff  }
0x16d: {  	v2 =	vld.idx.msk [tilespmem:v7+s6+$0x0], $0xffff;
	[tilespmem:s29+$0x30] =	vst v9  }
0x16e: {  	s1 =	simm.s32 $0x0;
	s0 =	simm.s32 $0x1A7F0;
	v4 =	vld.idx.msk [tilespmem:v8+s6+$0x0], $0xffff;
	[tilespmem:s29+$0xFFFFFFD0] =	vst v10  }
.LBB2_23:
0x16f: {  	v6 =	vld [tilespmem:s0+$0x0];
	s1 =	sadd.s32 $0x8, s1;
	[tilespmem:s29+$0xFFFFFFE0] =	vst v5  }
0x170: {  	v5 =	vld [tilespmem:s0+$0xFFFFFFA0];
	p4 =	slt.u32 s1, $0xF8;
	[tilespmem:s29+$0xFFFFFFF0] =	vst v3  }
0x171: {  	v3 =	vld [tilespmem:s0+$0xFFFFFFB0];
	[tilespmem:s29+$0x0] =	vst v0  }
0x172: {  	v0 =	vld [tilespmem:s0+$0xFFFFFFC0];
	[tilespmem:s29+$0x10] =	vst v1  }
0x173: {  	v1 =	vld [tilespmem:s0+$0xFFFFFFD0];
	[tilespmem:s29+$0x20] =	vst v2  }
0x174: {  	v2 =	vld [tilespmem:s0+$0xFFFFFFE0];
	[tilespmem:s29+$0xFFFFFFC0] =	vst v4  }
0x175: {  	v4 =	vld [tilespmem:s0+$0xFFFFFFF0]  }
0x176: {  	v7 =	vld [tilespmem:s0+$0xFFFFFF90]  }
0x177: {  	v6 =	vld.idx.msk [tilespmem:v6+s6+$0x0], $0xffff  }
0x178: {  	v8 =	vld.idx.msk [tilespmem:v5+s6+$0x0], $0xffff  }
0x179: {  	v5 =	vld.idx.msk [tilespmem:v3+s6+$0x0], $0xffff  }
.Ltmp14:
0x17a: {  	v3 =	vld.idx.msk [tilespmem:v0+s6+$0x0], $0xffff;
	(pc) =	sbr.rel @p4 .LBB2_23-.Ltmp14, $4  }
0x17b: {  	v0 =	vld.idx.msk [tilespmem:v1+s6+$0x0], $0xffff  }
0x17c: {  	s29 =	sadd.s32 $0x80, s29;
	v1 =	vld.idx.msk [tilespmem:v2+s6+$0x0], $0xffff  }
0x17d: {  	v2 =	vld.idx.msk [tilespmem:v4+s6+$0x0], $0xffff;
	[tilespmem:s29+$0x30] =	vst v6  }
0x17e: {  	s0 =	sadd.s32 $0x80, s0;
	v4 =	vld.idx.msk [tilespmem:v7+s6+$0x0], $0xffff;
	[tilespmem:s29+$0xFFFFFFD0] =	vst v8  }
0x17f: {  	[tilespmem:s29+$0xFFFFFFE0] =	vst v5  }
0x180: {  	[tilespmem:s29+$0xFFFFFFF0] =	vst v3  }
0x181: {  	[tilespmem:s29+$0x0] =	vst v0  }
0x182: {  	[tilespmem:s29+$0x10] =	vst v1  }
0x183: {  	[tilespmem:s29+$0x20] =	vst v2  }
0x184: {  	s0 =	sadd.s32 s28, s10;
	[tilespmem:s29+$0xFFFFFFC0] =	vst v4  }
0x185: {  	[hbm4b:s0+s16] =	stream.strided.scatter [tilespmem:s21], [sflag:$0x2], $0x1000, s17, s16, $0x38;
	[tilespmem:$0x1E700] =	vst v63  }
0x186: {  	_ =	swait.ge [sflag:s24], $0x1000  }
0x187: {  	[sflag:s24] =	ssyncset.done $0x0  }
0x188: {  	s31 =	simm.s32 $0x1B770;
	[sflag:s24] =	ssyncadd.s32 $0xFFFFF000  }
0x189: {  	v0 =	vld [tilespmem:s31+$0x0]  }
0x18a: {  	v1 =	vld [tilespmem:s31+$0xFFFFFFA0]  }
0x18b: {  	v2 =	vld [tilespmem:s31+$0xFFFFFFB0]  }
0x18c: {  	v3 =	vld [tilespmem:s31+$0xFFFFFFC0]  }
0x18d: {  	v4 =	vld [tilespmem:s31+$0xFFFFFFD0]  }
0x18e: {  	v6 =	vld [tilespmem:s31+$0xFFFFFFE0]  }
0x18f: {  	v7 =	vld [tilespmem:s31+$0xFFFFFFF0]  }
0x190: {  	v8 =	vld [tilespmem:s31+$0xFFFFFF90]  }
0x191: {  	v9 =	vld.idx.msk [tilespmem:v0+s6+$0x0], $0xffff  }
0x192: {  	v10 =	vld.idx.msk [tilespmem:v1+s6+$0x0], $0xffff  }
0x193: {  	v5 =	vld.idx.msk [tilespmem:v2+s6+$0x0], $0xffff  }
0x194: {  	v3 =	vld.idx.msk [tilespmem:v3+s6+$0x0], $0xffff  }
0x195: {  	v0 =	vld.idx.msk [tilespmem:v4+s6+$0x0], $0xffff  }
0x196: {  	s29 =	simm.s32 $0x1D740;
	v1 =	vld.idx.msk [tilespmem:v6+s6+$0x0], $0xffff  }
0x197: {  	v2 =	vld.idx.msk [tilespmem:v7+s6+$0x0], $0xffff;
	[tilespmem:s29+$0x30] =	vst v9  }
0x198: {  	s1 =	simm.s32 $0x0;
	s0 =	simm.s32 $0x1B7F0;
	v4 =	vld.idx.msk [tilespmem:v8+s6+$0x0], $0xffff;
	[tilespmem:s29+$0xFFFFFFD0] =	vst v10  }
.LBB2_25:
0x199: {  	v6 =	vld [tilespmem:s0+$0x0];
	s1 =	sadd.s32 $0x8, s1;
	[tilespmem:s29+$0xFFFFFFE0] =	vst v5  }
0x19a: {  	v5 =	vld [tilespmem:s0+$0xFFFFFFA0];
	p4 =	slt.u32 s1, $0xF8;
	[tilespmem:s29+$0xFFFFFFF0] =	vst v3  }
0x19b: {  	v3 =	vld [tilespmem:s0+$0xFFFFFFB0];
	[tilespmem:s29+$0x0] =	vst v0  }
0x19c: {  	v0 =	vld [tilespmem:s0+$0xFFFFFFC0];
	[tilespmem:s29+$0x10] =	vst v1  }
0x19d: {  	v1 =	vld [tilespmem:s0+$0xFFFFFFD0];
	[tilespmem:s29+$0x20] =	vst v2  }
0x19e: {  	v2 =	vld [tilespmem:s0+$0xFFFFFFE0];
	[tilespmem:s29+$0xFFFFFFC0] =	vst v4  }
0x19f: {  	v4 =	vld [tilespmem:s0+$0xFFFFFFF0]  }
0x1a0: {  	v7 =	vld [tilespmem:s0+$0xFFFFFF90]  }
0x1a1: {  	v6 =	vld.idx.msk [tilespmem:v6+s6+$0x0], $0xffff  }
0x1a2: {  	v8 =	vld.idx.msk [tilespmem:v5+s6+$0x0], $0xffff  }
0x1a3: {  	v5 =	vld.idx.msk [tilespmem:v3+s6+$0x0], $0xffff  }
.Ltmp15:
0x1a4: {  	v3 =	vld.idx.msk [tilespmem:v0+s6+$0x0], $0xffff;
	(pc) =	sbr.rel @p4 .LBB2_25-.Ltmp15, $4  }
0x1a5: {  	v0 =	vld.idx.msk [tilespmem:v1+s6+$0x0], $0xffff  }
0x1a6: {  	s29 =	sadd.s32 $0x80, s29;
	v1 =	vld.idx.msk [tilespmem:v2+s6+$0x0], $0xffff  }
0x1a7: {  	v2 =	vld.idx.msk [tilespmem:v4+s6+$0x0], $0xffff;
	[tilespmem:s29+$0x30] =	vst v6  }
0x1a8: {  	s0 =	sadd.s32 $0x80, s0;
	v4 =	vld.idx.msk [tilespmem:v7+s6+$0x0], $0xffff;
	[tilespmem:s29+$0xFFFFFFD0] =	vst v8  }
0x1a9: {  	[tilespmem:s29+$0xFFFFFFE0] =	vst v5  }
0x1aa: {  	[tilespmem:s29+$0xFFFFFFF0] =	vst v3;
	p5 =	slt.s32 s26, $0xC  }
.Ltmp16:
0x1ab: {  	[tilespmem:s29+$0x0] =	vst v0;
	(pc) =	sbr.rel @p5 .LBB2_18-.Ltmp16, $4  }
.Ltmp17:
0x1ac: {  	[tilespmem:s29+$0x10] =	vst v1;
	(pc) =	sbr.rel @!p5 .LBB2_27-.Ltmp17, $4  }
0x1ad: {  	s31 =	sadd.s32 $0x1, s26;
	[tilespmem:s29+$0x20] =	vst v2  }
0x1ae: {  	s0 =	sadd.s32 s28, s11;
	p4 =	por $0x1, $0x1;
	s26 =	smov.u32 s31;
	[tilespmem:s29+$0xFFFFFFC0] =	vst v4  }
0x1af: {  	[hbm4b:s0+s16] =	stream.strided.scatter [tilespmem:s22], [sflag:$0x3], $0x1000, s17, s16, $0x38;
	[tilespmem:$0x1E700] =	vst v63  }
0x1b0: {  	_ = 	snop  }
.LBB2_28:
0x1b1: {  	_ =	sfence.sel $0x180000  }
0x1b2: {  	[bflag:$0x0] =	sbarrier.arrive $0xFFFF  }
0x1b3: {  	_ =	strace $0x90000047  }
0x1b4: {  	s0 =	stileid.u32;
	[bflag:$0x2] =	sbarrier.arrive $0xFFFF  }
0x1b5: {  	p0 =	sne.s32 s0, $0x0;
	s0 =	rddreg [dreg:$0x3]  }
0x1b6: {  	s0 =	sadd.s32 @!p0 $0x100000, s0  }
0x1b7: {  	[sflag:s0] =	ssyncadd.tile.s32 @!p0 $0x1;
	_ =	shalt  }
.Lfunc_end2:
_tile_overlayer_lowered:
.L_overlay_start_2:
0x1b8: {  	(tag) =	ssettag $0x2  }
0x1b9: {  	s0 =	rddreg [dreg:$0x0];
	s2 =	stileid.u32  }
0x1ba: {  	s1 =	rddreg [dreg:$0x1];
	p0 =	sne.s32 s2, $0x0  }
0x1bb: {  	s3 =	rddreg [dreg:$0x2];
	[bflag:$0x3] =	sbarrier.arrive $0xFFFF;
	s2 =	simm.s32 @!p0 $0x1C04  }
0x1bc: {  	[timem:s3], [sflag:s2] =	dma.local @!p0 [hbm:s0], s1  }
0x1bd: {  	s0 =	simm.s32 @!p0 $0x4  }
0x1be: {  	_ =	swait.ge @!p0 [sflag:s0], s1  }
0x1bf: {  	s1 =	ssub.s32 @!p0 $0x0, s1;
	[sflag:s0] =	ssyncset.done @!p0 $0x0  }
0x1c0: {  	[sflag:s0] =	ssyncadd.s32 @!p0 s1  }
0x1c1: {  	[bflag:$0x3] =	sbarrier.arrive $0xFFFF  }
0x1c2: {  	_ =	shalt  }

</sc_bundles>
